<compile_context>
chip_gen: v7x
topology: tpu7x:2x2x1
jax: 0.10.2.dev20260603
libtpu: 0.0.44.dev20260713+nightly
codegen_flags: <defaults>
</compile_context>

<pallas_src>
import functools

import jax
import jax.numpy as jnp
from jax.experimental import pallas as pl
from jax.experimental.pallas import tpu as pltpu
from jax.experimental.pallas import tpu_sc as plsc

_B, _N, _H, _W = 4, 64, 128, 128
_HW = _H * _W
_C_LAT, _C_CTX, _C_PAY, _HID, _R = 256, 64, 32, 64, 16
_P = 1024
_ROWS = _P // _W
_NBLK = _HW // _P
_NEG = -1e30
_LROW = 128
_NITEM = _B * _NBLK


def _route_body(rows_hbm, valid_hbm, lists_hbm, rows_v, valid_v, list_v):
    wid = jax.lax.axis_index("s") * 2 + jax.lax.axis_index("c")
    for t in range(_NITEM // 32):
        item = wid * (_NITEM // 32) + t
        b = item // _NBLK
        j = item % _NBLK
        pltpu.sync_copy(rows_hbm.at[b], rows_v)
        pltpu.sync_copy(valid_hbm.at[b], valid_v)
        row_lo = _ROWS * j - _R
        row_hi = _ROWS * j + _ROWS - 1 + _R
        zeros = jnp.zeros((16,), jnp.int32)
        for z in range(_LROW // 16):
            list_v[pl.ds(16 * z, 16)] = zeros
        lo_v = jnp.full((16,), row_lo, jnp.int32)
        hi_v = jnp.full((16,), row_hi, jnp.int32)
        for cc in range(_N // 16):
            rv = rows_v[pl.ds(16 * cc, 16)]
            vv = valid_v[pl.ds(16 * cc, 16)]
            act = (rv >= lo_v) & (rv <= hi_v) & (vv > zeros)
            list_v[pl.ds(16 * cc, 16)] = jnp.where(act, 1, 0).astype(jnp.int32)
        pltpu.sync_copy(list_v, lists_hbm.at[b, j])


def _route_call(rows2d, valid2d):
    call = functools.partial(
        pl.kernel,
        mesh=plsc.VectorSubcoreMesh(core_axis_name="c", subcore_axis_name="s"),
        out_type=jax.ShapeDtypeStruct((_B, _NBLK, _LROW), jnp.int32),
        scratch_types=[
            pltpu.VMEM((_N,), jnp.int32),
            pltpu.VMEM((_N,), jnp.int32),
            pltpu.VMEM((_LROW,), jnp.int32),
        ],
    )(_route_body)
    return call(rows2d, valid2d)


def _dafusion_block(rows_s, cols_s, list_s, b2_s,
                    Ff_r, qe_r, selev_r, ctx_r, pay_r,
                    cw1_r, cb1_r, cw2_r, cb2_r,
                    pw1_r, pb1_r, pw2_r, pb2_r,
                    qwT_r, qb_r, W1qT_r, W1c_r, G4_r, w2_r, b1_r,
                    out_da, out_cov,
                    S_scr, AP_scr, AC_scr, HP_scr, HP2_scr, list_scr):
    j = pl.program_id(1)

    F_blk = Ff_r[0]
    HqT = jnp.dot(qwT_r[...], F_blk, preferred_element_type=jnp.float32)
    HqT = jax.nn.relu(HqT + qb_r[...])
    g0c = G4_r[0:1, :].reshape(_HID, 1)
    g1c = G4_r[1:2, :].reshape(_HID, 1)
    g2c = G4_r[2:3, :].reshape(_HID, 1)
    g3c = G4_r[3:4, :].reshape(_HID, 1)
    qe_row = qe_r[0]
    AP_scr[...] = (jnp.dot(W1qT_r[...], HqT, preferred_element_type=jnp.float32)
                   + (g3c * 1e-3) * qe_row + b1_r[...])

    @pl.when(j == 0)
    def _():
        ctx = ctx_r[0]
        h_ctx = jax.nn.relu(jnp.dot(ctx, cw1_r[...], preferred_element_type=jnp.float32) + cb1_r[...])
        h_ctx = jax.nn.relu(jnp.dot(h_ctx, cw2_r[...], preferred_element_type=jnp.float32) + cb2_r[...])
        pay = pay_r[0]
        h_pay = jax.nn.relu(jnp.dot(pay, pw1_r[...], preferred_element_type=jnp.float32) + pb1_r[...])
        h_pay = jax.nn.relu(jnp.dot(h_pay, pw2_r[...], preferred_element_type=jnp.float32) + pb2_r[...])
        HP_scr[...] = h_pay
        selev = selev_r[0]
        AC_scr[...] = (jnp.dot(h_ctx, W1c_r[...], preferred_element_type=jnp.float32)
                       - selev * (g3c.reshape(1, _HID) * 1e-3))

    cnt = jnp.int32(0)
    for n in range(_N):
        list_scr[cnt] = n
        cnt = cnt + list_s[0, 0, n]
    count = cnt

    pidx = jax.lax.broadcasted_iota(jnp.int32, (1, _P), 1) + j * _P
    prow = (pidx // _W).astype(jnp.float32)
    pcol = (pidx % _W).astype(jnp.float32)

    w2col = w2_r[...].reshape(_HID, 1)
    b2 = b2_s[0, 0]
    r2 = jnp.float32(_R * _R)

    S_scr[...] = jnp.full((_N, _P), _NEG, jnp.float32)
    HP2_scr[...] = jnp.zeros((_N, _HID), jnp.float32)

    AP = AP_scr[...]

    def _score(i):
        n = list_scr[i]
        rn = rows_s[0, 0, n].astype(jnp.float32)
        cn = cols_s[0, 0, n].astype(jnp.float32)
        drf = prow - rn
        dcf = pcol - cn
        d2 = drf * drf + dcf * dcf
        d = jnp.sqrt(d2)
        ok = d2 <= r2
        dkm = jnp.maximum(d, 1e-6)
        inv = 1.0 / dkm
        sinb = dcf * inv
        cosb = jnp.where(d > 0, -drf * inv, -1.0)
        acol = AC_scr[pl.ds(n, 1), :].reshape(_HID, 1)
        pre = (AP + acol
               + g0c * (dkm * (1.0 / _R)) + g1c * sinb + g2c * cosb)
        s = jnp.sum(jax.nn.relu(pre) * w2col, axis=0, keepdims=True) + b2
        return n, jnp.where(ok, s, _NEG)

    _U = 2

    def _stationU(it, carry):
        base = _U * it
        res = [_score(base + k) for k in range(_U)]
        n0, sm0 = res[0]
        S_scr[pl.ds(base, 1), :] = sm0
        HP2_scr[pl.ds(base, 1), :] = HP_scr[pl.ds(n0, 1), :]
        for k in range(1, _U):
            ik = base + k
            nk, smk = res[k]

            @pl.when(ik < count)
            def _(ik=ik, nk=nk, smk=smk):
                S_scr[pl.ds(ik, 1), :] = smk
                HP2_scr[pl.ds(ik, 1), :] = HP_scr[pl.ds(nk, 1), :]

        return carry

    jax.lax.fori_loop(0, (count + _U - 1) // _U, _stationU, jnp.int32(0))

    S = S_scr[...]
    m_raw = jnp.max(S, axis=0, keepdims=True)
    m = jnp.where(m_raw > 0.5 * _NEG, m_raw, 0.0)
    E = jnp.exp(S - m)
    den = jnp.sum(E, axis=0, keepdims=True)
    NumT = jax.lax.dot_general(HP2_scr[...], E, (((0,), (0,)), ((), ())),
                               preferred_element_type=jnp.float32)
    out_da[0] = NumT / jnp.maximum(den, 1e-30)
    out_cov[0] = (den > 0.5).astype(jnp.float32)


def kernel(F_grid, src_rows, src_cols, src_ctx, src_pay, src_valid,
           raw_elev_patch, src_elev,
           ctx_w1, ctx_b1, ctx_w2, ctx_b2, pay_w1, pay_b1, pay_w2, pay_b2,
           q_w, q_b, att_w1, att_b1, att_w2, att_b2):
    Ff = F_grid.reshape(_B, _C_LAT, _HW)
    qe = raw_elev_patch.reshape(_B, 1, _HW)
    rows2d = src_rows.astype(jnp.int32)
    valid2d = src_valid.astype(jnp.int32)
    lists = _route_call(rows2d, valid2d)
    lists3 = lists.reshape(_B, 1, _NBLK * _LROW)
    rows_i = rows2d.reshape(_B, 1, _N)
    cols_i = src_cols.astype(jnp.int32).reshape(_B, 1, _N)
    selev = src_elev.reshape(_B, _N, 1)
    qwT = q_w.T
    W1qT = att_w1[:_HID].T
    W1c = att_w1[_HID:2 * _HID]
    G4 = att_w1[2 * _HID:]
    w2row = att_w2.reshape(1, _HID)
    b1col = att_b1.reshape(_HID, 1)
    b2s = att_b2.reshape(1, 1)
    qbcol = q_b.reshape(_HID, 1)
    cb1r, cb2r = ctx_b1.reshape(1, _HID), ctx_b2.reshape(1, _HID)
    pb1r, pb2r = pay_b1.reshape(1, _HID), pay_b2.reshape(1, _HID)

    smem = pltpu.MemorySpace.SMEM
    grid = (_B, _NBLK)

    def full(shape):
        return pl.BlockSpec(shape, lambda b, j: (0,) * len(shape))

    in_specs = [
        pl.BlockSpec((1, 1, _N), lambda b, j: (b, 0, 0), memory_space=smem),
        pl.BlockSpec((1, 1, _N), lambda b, j: (b, 0, 0), memory_space=smem),
        pl.BlockSpec((1, 1, _LROW), lambda b, j: (b, 0, j), memory_space=smem),
        pl.BlockSpec((1, 1), lambda b, j: (0, 0), memory_space=smem),
        pl.BlockSpec((1, _C_LAT, _P), lambda b, j: (b, 0, j)),
        pl.BlockSpec((1, 1, _P), lambda b, j: (b, 0, j)),
        pl.BlockSpec((1, _N, 1), lambda b, j: (b, 0, 0)),
        pl.BlockSpec((1, _N, _C_CTX), lambda b, j: (b, 0, 0)),
        pl.BlockSpec((1, _N, _C_PAY), lambda b, j: (b, 0, 0)),
        full((_C_CTX, _HID)), full((1, _HID)),
        full((_HID, _HID)), full((1, _HID)),
        full((_C_PAY, _HID)), full((1, _HID)),
        full((_HID, _HID)), full((1, _HID)),
        full((_HID, _C_LAT)), full((_HID, 1)),
        full((_HID, _HID)), full((_HID, _HID)),
        full((4, _HID)), full((1, _HID)), full((_HID, 1)),
    ]
    out_specs = [
        pl.BlockSpec((1, _HID, _P), lambda b, j: (b, 0, j)),
        pl.BlockSpec((1, 1, _P), lambda b, j: (b, 0, j)),
    ]
    out_shape = [
        jax.ShapeDtypeStruct((_B, _HID, _HW), jnp.float32),
        jax.ShapeDtypeStruct((_B, 1, _HW), jnp.float32),
    ]

    da_flat, cov_flat = pl.pallas_call(
        _dafusion_block,
        grid=grid,
        in_specs=in_specs,
        out_specs=out_specs,
        out_shape=out_shape,
        scratch_shapes=[
            pltpu.VMEM((_N, _P), jnp.float32),
            pltpu.VMEM((_HID, _P), jnp.float32),
            pltpu.VMEM((_N, _HID), jnp.float32),
            pltpu.VMEM((_N, _HID), jnp.float32),
            pltpu.VMEM((_N, _HID), jnp.float32),
            pltpu.SMEM((_N,), jnp.int32),
        ],
        compiler_params=pltpu.CompilerParams(
            dimension_semantics=("parallel", "arbitrary")),
    )(rows_i, cols_i, lists3, b2s, Ff, qe, selev, src_ctx, src_pay,
      ctx_w1, cb1r, ctx_w2, cb2r, pay_w1, pb1r, pay_w2, pb2r,
      qwT, qbcol, W1qT, W1c, G4, w2row, b1col)

    da = da_flat.reshape(_B, _HID, _H, _W)
    cov = cov_flat.reshape(_B, 1, _H, _W)
    return da, cov

# --- scband reference (transcript-rebuilt; emitter-appended) ---
"""Pipeline reference for scband-grid-dafusion-87290915324622 (READ-ONLY COPY).

The authoritative reference and input builder live on the scoring server;
editing this copy changes nothing except your own understanding.
"""

import jax, jax.numpy as jnp
import numpy as np

B, N, H, W = 4, 64, 128, 128
C_LAT, C_CTX, C_PAY, HID, R = 256, 64, 32, 64, 16
K = (2 * R + 1) ** 2


def _lin(k, i, o):
    return 0.05 * jax.random.normal(k, (i, o), jnp.float32), jnp.zeros((o,), jnp.float32)


def setup_inputs(seed: int = 0):
    key = jax.random.key(seed)
    ks = jax.random.split(key, 16)
    inp = {}
    inp["F_grid"] = jax.random.normal(ks[0], (B, C_LAT, H, W), jnp.float32)
    inp["src_rows"] = jax.random.randint(ks[1], (B, N), 0, H)
    inp["src_cols"] = jax.random.randint(ks[2], (B, N), 0, W)
    inp["src_ctx"] = jax.random.normal(ks[3], (B, N, C_CTX), jnp.float32)
    inp["src_pay"] = jax.random.normal(ks[4], (B, N, C_PAY), jnp.float32)
    inp["src_valid"] = jnp.ones((B, N), dtype=bool)
    inp["raw_elev_patch"] = jax.random.uniform(ks[5], (B, 1, H, W), dtype=jnp.float32)
    inp["src_elev"] = jax.random.uniform(ks[6], (B, N), dtype=jnp.float32)
    inp["ctx_w1"], inp["ctx_b1"] = _lin(ks[7], C_CTX, HID)
    inp["ctx_w2"], inp["ctx_b2"] = _lin(ks[8], HID, HID)
    inp["pay_w1"], inp["pay_b1"] = _lin(ks[9], C_PAY, HID)
    inp["pay_w2"], inp["pay_b2"] = _lin(ks[10], HID, HID)
    inp["q_w"], inp["q_b"] = _lin(ks[11], C_LAT, HID)
    inp["att_w1"], inp["att_b1"] = _lin(ks[12], 2 * HID + 4, HID)
    inp["att_w2"], inp["att_b2"] = _lin(ks[13], HID, 1)
    return inp


def _forward(F_grid, src_ctx, src_pay, raw_elev_patch, src_elev,
             src_rows, src_cols, src_valid,
             ctx_w1, ctx_b1, ctx_w2, ctx_b2,
             pay_w1, pay_b1, pay_w2, pay_b2,
             q_w, q_b, att_w1, att_b1, att_w2, att_b2):
    off = jnp.arange(-R, R + 1)
    dr_o, dc_o = jnp.meshgrid(off, off, indexing="ij")
    dr_o = dr_o.reshape(-1)
    dc_o = dc_o.reshape(-1)
    dist_o = jnp.sqrt(dr_o.astype(jnp.float32) ** 2 + dc_o.astype(jnp.float32) ** 2)
    in_rad = dist_o <= R
    e_src = jnp.repeat(jnp.arange(N), K)
    dr_e = jnp.broadcast_to(dr_o[None, :], (N, K)).reshape(-1).astype(jnp.float32)
    dc_e = jnp.broadcast_to(dc_o[None, :], (N, K)).reshape(-1).astype(jnp.float32)
    das, covs = [], []
    for b in range(B):
        rows = src_rows[b]
        cols = src_cols[b]
        qr = rows[:, None] + dr_o[None, :]
        qc = cols[:, None] + dc_o[None, :]
        ok = (src_valid[b][:, None] & (qr >= 0) & (qr < H) & (qc >= 0) & (qc < W) & in_rad[None, :]).reshape(-1)
        qr_f = jnp.clip(qr.reshape(-1), 0, H - 1)
        qc_f = jnp.clip(qc.reshape(-1), 0, W - 1)
        q_flat = qr_f * W + qc_f
        h_ctx = jax.nn.relu(jax.nn.relu(src_ctx[b] @ ctx_w1 + ctx_b1) @ ctx_w2 + ctx_b2)
        h_pay = jax.nn.relu(jax.nn.relu(src_pay[b] @ pay_w1 + pay_b1) @ pay_w2 + pay_b2)
        feats = F_grid[b].reshape(C_LAT, H * W)[:, q_flat].T
        h_q = jax.nn.relu(feats @ q_w + q_b)
        dist_km = jnp.maximum(jnp.sqrt(dr_e * dr_e + dc_e * dc_e), 1e-6)
        bearing = jnp.arctan2(dc_e, -dr_e)
        q_elev = raw_elev_patch[b, 0].reshape(-1)[q_flat]
        delta_elev = q_elev - src_elev[b][e_src]
        geom = jnp.stack([dist_km / R, jnp.sin(bearing), jnp.cos(bearing), delta_elev / 1000.0], axis=-1)
        att_in = jnp.concatenate([h_q, h_ctx[e_src], geom], axis=-1)
        score = (jax.nn.relu(att_in @ att_w1 + att_b1) @ att_w2 + att_b2)[:, 0]
        mx = jax.ops.segment_max(jnp.where(ok, score, -jnp.inf), q_flat, num_segments=H * W)
        mx = jax.lax.stop_gradient(jnp.where(jnp.isfinite(mx), mx, 0.0))
        ex = jnp.where(ok, jnp.exp(score - mx[q_flat]), 0.0)
        den = jax.ops.segment_sum(ex, q_flat, num_segments=H * W)
        alpha = ex / jnp.maximum(den[q_flat], 1e-30)
        messages = alpha[:, None] * h_pay[e_src]
        da_flat = jax.ops.segment_sum(messages, q_flat, num_segments=H * W)
        das.append(da_flat.T.reshape(HID, H, W))
        cov = (jax.ops.segment_sum(ok.astype(jnp.float32), q_flat, num_segments=H * W) > 0).astype(jnp.float32)
        covs.append(cov.reshape(1, H, W))
    return jnp.stack(das, 0), jnp.stack(covs, 0)


def reference(F_grid, src_rows, src_cols, src_ctx, src_pay, src_valid, raw_elev_patch, src_elev,
              ctx_w1, ctx_b1, ctx_w2, ctx_b2, pay_w1, pay_b1, pay_w2, pay_b2,
              q_w, q_b, att_w1, att_b1, att_w2, att_b2):
    return _forward(F_grid, src_ctx, src_pay, raw_elev_patch, src_elev,
                    src_rows, src_cols, src_valid,
                    ctx_w1, ctx_b1, ctx_w2, ctx_b2,
                    pay_w1, pay_b1, pay_w2, pay_b2,
                    q_w, q_b, att_w1, att_b1, att_w2, att_b2)

if __name__ == "__main__":
    import jax
    _d = setup_inputs()
    print(jax.jit(kernel)(*tuple(_d.values())))

</pallas_src>

<mosaic_0001>
#map = affine_map<(d0, d1) -> (0, 0)>
#map1 = affine_map<(d0, d1) -> (0, 0, 0)>
module attributes {stable_mosaic.version = 14 : i64} {
  func.func @_route_body(%arg0: i32, %arg1: i32, %arg2: memref<4x64xi32, #tpu.memory_space<hbm>>, %arg3: memref<4x64xi32, #tpu.memory_space<hbm>>, %arg4: memref<4x16x128xi32, #tpu.memory_space<hbm>>, %arg5: memref<64xi32, #tpu.memory_space<vmem>>, %arg6: memref<64xi32, #tpu.memory_space<vmem>>, %arg7: memref<128xi32, #tpu.memory_space<vmem>>) attributes {dimension_semantics = [#tpu.dimension_semantics<core_parallel>, #tpu.dimension_semantics<subcore_parallel>], iteration_bounds = array<i64: 2, 16>, scalar_prefetch = 0 : i64, scratch_operands = 3 : i64, tpu.core_type = #tpu.core_type<sc_vector_subcore>, window_params = [{transform_indices = #map}, {transform_indices = #map}, {transform_indices = #map1}]} {
    %mul3A = arith.constant 2 : i32
    %mul3A_0 = arith.muli %arg1, %mul3A : i32
    %add3A = arith.addi %mul3A_0, %arg0 : i32
    %mul3A_1 = arith.constant 2 : i32
    %mul3A_2 = arith.muli %add3A, %mul3A_1 : i32
    %add3A_3 = arith.constant 0 : i32
    %add3A_4 = arith.addi %mul3A_2, %add3A_3 : i32
    %jit3A = arith.constant 16 : i32
    %div3A = arith.divsi %add3A_4, %jit3A : i32
    %sign3A = arith.constant 0 : i32
    %sign3A_5 = arith.cmpi sgt, %add3A_4, %sign3A : i32
    %sign3A_6 = arith.extui %sign3A_5 : i1 to i32
    %sign3A_7 = arith.constant 0 : i32
    %sign3A_8 = arith.cmpi slt, %add3A_4, %sign3A_7 : i32
    %sign3A_9 = arith.extui %sign3A_8 : i1 to i32
    %sign3A_10 = arith.subi %sign3A_6, %sign3A_9 : i32
    %sign3A_11 = arith.constant 0 : i32
    %sign3A_12 = arith.cmpi sgt, %jit3A, %sign3A_11 : i32
    %sign3A_13 = arith.extui %sign3A_12 : i1 to i32
    %sign3A_14 = arith.constant 0 : i32
    %sign3A_15 = arith.cmpi slt, %jit3A, %sign3A_14 : i32
    %sign3A_16 = arith.extui %sign3A_15 : i1 to i32
    %sign3A_17 = arith.subi %sign3A_13, %sign3A_16 : i32
    %ne3A = arith.cmpi ne, %sign3A_10, %sign3A_17 : i32
    %rem3A = arith.remsi %add3A_4, %jit3A : i32
    %ne3A_18 = arith.constant 0 : i32
    %ne3A_19 = arith.cmpi ne, %rem3A, %ne3A_18 : i32
    %and3A = arith.andi %ne3A, %ne3A_19 : i1
    %sub3A = arith.constant 1 : i32
    %sub3A_20 = arith.subi %div3A, %sub3A : i32
    %select_n3A = arith.select %and3A, %sub3A_20, %div3A : i32
    %jit3A_21 = arith.constant 16 : i32
    %eq3A = arith.constant 0 : i32
    %eq3A_22 = arith.cmpi eq, %jit3A_21, %eq3A : i32
    %jit3A_23 = arith.constant 1 : i32
    %select_n3A_24 = arith.select %eq3A_22, %jit3A_23, %jit3A_21 : i32
    %rem3A_25 = arith.remsi %add3A_4, %select_n3A_24 : i32
    %ne3A_26 = arith.constant 0 : i32
    %ne3A_27 = arith.cmpi ne, %rem3A_25, %ne3A_26 : i32
    %lt3A = arith.constant 0 : i32
    %lt3A_28 = arith.cmpi slt, %rem3A_25, %lt3A : i32
    %lt3A_29 = arith.constant 0 : i32
    %lt3A_30 = arith.cmpi slt, %select_n3A_24, %lt3A_29 : i32
    %ne3A_31 = arith.xori %lt3A_28, %lt3A_30 : i1
    %and3A_32 = arith.andi %ne3A_31, %ne3A_27 : i1
    %add3A_33 = arith.addi %rem3A_25, %select_n3A_24 : i32
    %select_n3A_34 = arith.select %and3A_32, %add3A_33, %rem3A_25 : i32
    "tpu.region"() ({
      %run_scoped3A = tpu.sem_alloc : memref<!tpu.dma_semaphore, #tpu.memory_space<semaphore_mem>>
      %dma_start3A = arith.constant 0 : i32
      %dma_start3A_329 = tpu.memref_slice %arg2[%select_n3A, %dma_start3A] : memref<4x64xi32, #tpu.memory_space<hbm>> -> memref<1x64xi32, #tpu.memory_space<hbm>>
      %dma_start3A_330 = tpu.memref_squeeze %dma_start3A_329 : memref<1x64xi32, #tpu.memory_space<hbm>> -> memref<64xi32, #tpu.memory_space<hbm>>
      %dma_start3A_331 = arith.constant 0 : i32
      %dma_start3A_332 = tpu.memref_slice %arg2[%select_n3A, %dma_start3A_331] : memref<4x64xi32, #tpu.memory_space<hbm>> -> memref<1x64xi32, #tpu.memory_space<hbm>>
      %dma_start3A_333 = tpu.memref_squeeze %dma_start3A_332 : memref<1x64xi32, #tpu.memory_space<hbm>> -> memref<64xi32, #tpu.memory_space<hbm>>
      tpu.enqueue_dma source(%dma_start3A_333 : memref<64xi32, #tpu.memory_space<hbm>>) target(%arg5 : memref<64xi32, #tpu.memory_space<vmem>>) target_semaphore(%run_scoped3A : memref<!tpu.dma_semaphore, #tpu.memory_space<semaphore_mem>>)
      %dma_wait3A = arith.constant 0 : i32
      %dma_wait3A_334 = tpu.memref_slice %arg2[%select_n3A, %dma_wait3A] : memref<4x64xi32, #tpu.memory_space<hbm>> -> memref<1x64xi32, #tpu.memory_space<hbm>>
      %dma_wait3A_335 = tpu.memref_squeeze %dma_wait3A_334 : memref<1x64xi32, #tpu.memory_space<hbm>> -> memref<64xi32, #tpu.memory_space<hbm>>
      %dma_wait3A_336 = arith.constant 0 : i32
      %dma_wait3A_337 = tpu.memref_slice %arg2[%select_n3A, %dma_wait3A_336] : memref<4x64xi32, #tpu.memory_space<hbm>> -> memref<1x64xi32, #tpu.memory_space<hbm>>
      %dma_wait3A_338 = tpu.memref_squeeze %dma_wait3A_337 : memref<1x64xi32, #tpu.memory_space<hbm>> -> memref<64xi32, #tpu.memory_space<hbm>>
      tpu.wait_dma2 semaphore(%run_scoped3A : memref<!tpu.dma_semaphore, #tpu.memory_space<semaphore_mem>>) src(%dma_wait3A_338 : memref<64xi32, #tpu.memory_space<hbm>>) dst(%arg5 : memref<64xi32, #tpu.memory_space<vmem>>)
      tpu.yield
    }) : () -> ()
    "tpu.region"() ({
      %run_scoped3A = tpu.sem_alloc : memref<!tpu.dma_semaphore, #tpu.memory_space<semaphore_mem>>
      %dma_start3A = arith.constant 0 : i32
      %dma_start3A_329 = tpu.memref_slice %arg3[%select_n3A, %dma_start3A] : memref<4x64xi32, #tpu.memory_space<hbm>> -> memref<1x64xi32, #tpu.memory_space<hbm>>
      %dma_start3A_330 = tpu.memref_squeeze %dma_start3A_329 : memref<1x64xi32, #tpu.memory_space<hbm>> -> memref<64xi32, #tpu.memory_space<hbm>>
      %dma_start3A_331 = arith.constant 0 : i32
      %dma_start3A_332 = tpu.memref_slice %arg3[%select_n3A, %dma_start3A_331] : memref<4x64xi32, #tpu.memory_space<hbm>> -> memref<1x64xi32, #tpu.memory_space<hbm>>
      %dma_start3A_333 = tpu.memref_squeeze %dma_start3A_332 : memref<1x64xi32, #tpu.memory_space<hbm>> -> memref<64xi32, #tpu.memory_space<hbm>>
      tpu.enqueue_dma source(%dma_start3A_333 : memref<64xi32, #tpu.memory_space<hbm>>) target(%arg6 : memref<64xi32, #tpu.memory_space<vmem>>) target_semaphore(%run_scoped3A : memref<!tpu.dma_semaphore, #tpu.memory_space<semaphore_mem>>)
      %dma_wait3A = arith.constant 0 : i32
      %dma_wait3A_334 = tpu.memref_slice %arg3[%select_n3A, %dma_wait3A] : memref<4x64xi32, #tpu.memory_space<hbm>> -> memref<1x64xi32, #tpu.memory_space<hbm>>
      %dma_wait3A_335 = tpu.memref_squeeze %dma_wait3A_334 : memref<1x64xi32, #tpu.memory_space<hbm>> -> memref<64xi32, #tpu.memory_space<hbm>>
      %dma_wait3A_336 = arith.constant 0 : i32
      %dma_wait3A_337 = tpu.memref_slice %arg3[%select_n3A, %dma_wait3A_336] : memref<4x64xi32, #tpu.memory_space<hbm>> -> memref<1x64xi32, #tpu.memory_space<hbm>>
      %dma_wait3A_338 = tpu.memref_squeeze %dma_wait3A_337 : memref<1x64xi32, #tpu.memory_space<hbm>> -> memref<64xi32, #tpu.memory_space<hbm>>
      tpu.wait_dma2 semaphore(%run_scoped3A : memref<!tpu.dma_semaphore, #tpu.memory_space<semaphore_mem>>) src(%dma_wait3A_338 : memref<64xi32, #tpu.memory_space<hbm>>) dst(%arg6 : memref<64xi32, #tpu.memory_space<vmem>>)
      tpu.yield
    }) : () -> ()
    %mul3A_35 = arith.constant 8 : i32
    %mul3A_36 = arith.muli %mul3A_35, %select_n3A_34 : i32
    %sub3A_37 = arith.constant 16 : i32
    %sub3A_38 = arith.subi %mul3A_36, %sub3A_37 : i32
    %mul3A_39 = arith.constant 8 : i32
    %mul3A_40 = arith.muli %mul3A_39, %select_n3A_34 : i32
    %add3A_41 = arith.constant 8 : i32
    %add3A_42 = arith.addi %mul3A_40, %add3A_41 : i32
    %sub3A_43 = arith.constant 1 : i32
    %sub3A_44 = arith.subi %add3A_42, %sub3A_43 : i32
    %add3A_45 = arith.constant 16 : i32
    %add3A_46 = arith.addi %sub3A_44, %add3A_45 : i32
    %broadcast_in_dim3A = arith.constant 0 : i32
    %broadcast_in_dim3A_47 = vector.broadcast %broadcast_in_dim3A : i32 to vector<16xi32>
    %swap3A = arith.constant 0 : index
    %swap3A_48 = tpu.vector_load %arg7[%swap3A] {strides = array<i32>} : memref<128xi32, #tpu.memory_space<vmem>>, vector<16xi32>,
    %swap3A_49 = vector.shape_cast %swap3A_48 : vector<16xi32> to vector<16xi32>
    %swap3A_50 = vector.shape_cast %broadcast_in_dim3A_47 : vector<16xi32> to vector<16xi32>
    tpu.vector_store %arg7[%swap3A], %swap3A_50 {strides = array<i32>} : memref<128xi32, #tpu.memory_space<vmem>>, vector<16xi32>,
    %swap3A_51 = arith.constant 16 : index
    %swap3A_52 = tpu.vector_load %arg7[%swap3A_51] {strides = array<i32>} : memref<128xi32, #tpu.memory_space<vmem>>, vector<16xi32>,
    %swap3A_53 = vector.shape_cast %swap3A_52 : vector<16xi32> to vector<16xi32>
    %swap3A_54 = vector.shape_cast %broadcast_in_dim3A_47 : vector<16xi32> to vector<16xi32>
    tpu.vector_store %arg7[%swap3A_51], %swap3A_54 {strides = array<i32>} : memref<128xi32, #tpu.memory_space<vmem>>, vector<16xi32>,
    %swap3A_55 = arith.constant 32 : index
    %swap3A_56 = tpu.vector_load %arg7[%swap3A_55] {strides = array<i32>} : memref<128xi32, #tpu.memory_space<vmem>>, vector<16xi32>,
    %swap3A_57 = vector.shape_cast %swap3A_56 : vector<16xi32> to vector<16xi32>
    %swap3A_58 = vector.shape_cast %broadcast_in_dim3A_47 : vector<16xi32> to vector<16xi32>
    tpu.vector_store %arg7[%swap3A_55], %swap3A_58 {strides = array<i32>} : memref<128xi32, #tpu.memory_space<vmem>>, vector<16xi32>,
    %swap3A_59 = arith.constant 48 : index
    %swap3A_60 = tpu.vector_load %arg7[%swap3A_59] {strides = array<i32>} : memref<128xi32, #tpu.memory_space<vmem>>, vector<16xi32>,
    %swap3A_61 = vector.shape_cast %swap3A_60 : vector<16xi32> to vector<16xi32>
    %swap3A_62 = vector.shape_cast %broadcast_in_dim3A_47 : vector<16xi32> to vector<16xi32>
    tpu.vector_store %arg7[%swap3A_59], %swap3A_62 {strides = array<i32>} : memref<128xi32, #tpu.memory_space<vmem>>, vector<16xi32>,
    %swap3A_63 = arith.constant 64 : index
    %swap3A_64 = tpu.vector_load %arg7[%swap3A_63] {strides = array<i32>} : memref<128xi32, #tpu.memory_space<vmem>>, vector<16xi32>,
    %swap3A_65 = vector.shape_cast %swap3A_64 : vector<16xi32> to vector<16xi32>
    %swap3A_66 = vector.shape_cast %broadcast_in_dim3A_47 : vector<16xi32> to vector<16xi32>
    tpu.vector_store %arg7[%swap3A_63], %swap3A_66 {strides = array<i32>} : memref<128xi32, #tpu.memory_space<vmem>>, vector<16xi32>,
    %swap3A_67 = arith.constant 80 : index
    %swap3A_68 = tpu.vector_load %arg7[%swap3A_67] {strides = array<i32>} : memref<128xi32, #tpu.memory_space<vmem>>, vector<16xi32>,
    %swap3A_69 = vector.shape_cast %swap3A_68 : vector<16xi32> to vector<16xi32>
    %swap3A_70 = vector.shape_cast %broadcast_in_dim3A_47 : vector<16xi32> to vector<16xi32>
    tpu.vector_store %arg7[%swap3A_67], %swap3A_70 {strides = array<i32>} : memref<128xi32, #tpu.memory_space<vmem>>, vector<16xi32>,
    %swap3A_71 = arith.constant 96 : index
    %swap3A_72 = tpu.vector_load %arg7[%swap3A_71] {strides = array<i32>} : memref<128xi32, #tpu.memory_space<vmem>>, vector<16xi32>,
    %swap3A_73 = vector.shape_cast %swap3A_72 : vector<16xi32> to vector<16xi32>
    %swap3A_74 = vector.shape_cast %broadcast_in_dim3A_47 : vector<16xi32> to vector<16xi32>
    tpu.vector_store %arg7[%swap3A_71], %swap3A_74 {strides = array<i32>} : memref<128xi32, #tpu.memory_space<vmem>>, vector<16xi32>,
    %swap3A_75 = arith.constant 112 : index
    %swap3A_76 = tpu.vector_load %arg7[%swap3A_75] {strides = array<i32>} : memref<128xi32, #tpu.memory_space<vmem>>, vector<16xi32>,
    %swap3A_77 = vector.shape_cast %swap3A_76 : vector<16xi32> to vector<16xi32>
    %swap3A_78 = vector.shape_cast %broadcast_in_dim3A_47 : vector<16xi32> to vector<16xi32>
    tpu.vector_store %arg7[%swap3A_75], %swap3A_78 {strides = array<i32>} : memref<128xi32, #tpu.memory_space<vmem>>, vector<16xi32>,
    %broadcast_in_dim3A_79 = vector.broadcast %sub3A_38 : i32 to vector<16xi32>
    %broadcast_in_dim3A_80 = vector.broadcast %add3A_46 : i32 to vector<16xi32>
    %get3A = arith.constant 0 : index
    %get3A_81 = tpu.vector_load %arg5[%get3A] {strides = array<i32>} : memref<64xi32, #tpu.memory_space<vmem>>, vector<16xi32>,
    %get3A_82 = vector.shape_cast %get3A_81 : vector<16xi32> to vector<16xi32>
    %get3A_83 = arith.constant 0 : index
    %get3A_84 = tpu.vector_load %arg6[%get3A_83] {strides = array<i32>} : memref<64xi32, #tpu.memory_space<vmem>>, vector<16xi32>,
    %get3A_85 = vector.shape_cast %get3A_84 : vector<16xi32> to vector<16xi32>
    %ge3A = arith.cmpi sge, %get3A_82, %broadcast_in_dim3A_79 : vector<16xi32>
    %le3A = arith.cmpi sle, %get3A_82, %broadcast_in_dim3A_80 : vector<16xi32>
    %and3A_86 = arith.andi %ge3A, %le3A : vector<16xi1>
    %gt3A = arith.cmpi sgt, %get3A_85, %broadcast_in_dim3A_47 : vector<16xi32>
    %and3A_87 = arith.andi %and3A_86, %gt3A : vector<16xi1>
    %jit3A_88 = arith.constant 1 : i32
    %jit3A_89 = arith.constant 0 : i32
    %broadcast_in_dim3A_90 = vector.broadcast %jit3A_88 : i32 to vector<16xi32>
    %broadcast_in_dim3A_91 = vector.broadcast %jit3A_89 : i32 to vector<16xi32>
    %select_n3A_92 = arith.select %and3A_87, %broadcast_in_dim3A_90, %broadcast_in_dim3A_91 : vector<16xi1>, vector<16xi32>
    %swap3A_93 = arith.constant 0 : index
    %swap3A_94 = tpu.vector_load %arg7[%swap3A_93] {strides = array<i32>} : memref<128xi32, #tpu.memory_space<vmem>>, vector<16xi32>,
    %swap3A_95 = vector.shape_cast %swap3A_94 : vector<16xi32> to vector<16xi32>
    %swap3A_96 = vector.shape_cast %select_n3A_92 : vector<16xi32> to vector<16xi32>
    tpu.vector_store %arg7[%swap3A_93], %swap3A_96 {strides = array<i32>} : memref<128xi32, #tpu.memory_space<vmem>>, vector<16xi32>,
    %get3A_97 = arith.constant 16 : index
    %get3A_98 = tpu.vector_load %arg5[%get3A_97] {strides = array<i32>} : memref<64xi32, #tpu.memory_space<vmem>>, vector<16xi32>,
    %get3A_99 = vector.shape_cast %get3A_98 : vector<16xi32> to vector<16xi32>
    %get3A_100 = arith.constant 16 : index
    %get3A_101 = tpu.vector_load %arg6[%get3A_100] {strides = array<i32>} : memref<64xi32, #tpu.memory_space<vmem>>, vector<16xi32>,
    %get3A_102 = vector.shape_cast %get3A_101 : vector<16xi32> to vector<16xi32>
    %ge3A_103 = arith.cmpi sge, %get3A_99, %broadcast_in_dim3A_79 : vector<16xi32>
    %le3A_104 = arith.cmpi sle, %get3A_99, %broadcast_in_dim3A_80 : vector<16xi32>
    %and3A_105 = arith.andi %ge3A_103, %le3A_104 : vector<16xi1>
    %gt3A_106 = arith.cmpi sgt, %get3A_102, %broadcast_in_dim3A_47 : vector<16xi32>
    %and3A_107 = arith.andi %and3A_105, %gt3A_106 : vector<16xi1>
    %jit3A_108 = arith.constant 1 : i32
    %jit3A_109 = arith.constant 0 : i32
    %broadcast_in_dim3A_110 = vector.broadcast %jit3A_108 : i32 to vector<16xi32>
    %broadcast_in_dim3A_111 = vector.broadcast %jit3A_109 : i32 to vector<16xi32>
    %select_n3A_112 = arith.select %and3A_107, %broadcast_in_dim3A_110, %broadcast_in_dim3A_111 : vector<16xi1>, vector<16xi32>
    %swap3A_113 = arith.constant 16 : index
    %swap3A_114 = tpu.vector_load %arg7[%swap3A_113] {strides = array<i32>} : memref<128xi32, #tpu.memory_space<vmem>>, vector<16xi32>,
    %swap3A_115 = vector.shape_cast %swap3A_114 : vector<16xi32> to vector<16xi32>
    %swap3A_116 = vector.shape_cast %select_n3A_112 : vector<16xi32> to vector<16xi32>
    tpu.vector_store %arg7[%swap3A_113], %swap3A_116 {strides = array<i32>} : memref<128xi32, #tpu.memory_space<vmem>>, vector<16xi32>,
    %get3A_117 = arith.constant 32 : index
    %get3A_118 = tpu.vector_load %arg5[%get3A_117] {strides = array<i32>} : memref<64xi32, #tpu.memory_space<vmem>>, vector<16xi32>,
    %get3A_119 = vector.shape_cast %get3A_118 : vector<16xi32> to vector<16xi32>
    %get3A_120 = arith.constant 32 : index
    %get3A_121 = tpu.vector_load %arg6[%get3A_120] {strides = array<i32>} : memref<64xi32, #tpu.memory_space<vmem>>, vector<16xi32>,
    %get3A_122 = vector.shape_cast %get3A_121 : vector<16xi32> to vector<16xi32>
    %ge3A_123 = arith.cmpi sge, %get3A_119, %broadcast_in_dim3A_79 : vector<16xi32>
    %le3A_124 = arith.cmpi sle, %get3A_119, %broadcast_in_dim3A_80 : vector<16xi32>
    %and3A_125 = arith.andi %ge3A_123, %le3A_124 : vector<16xi1>
    %gt3A_126 = arith.cmpi sgt, %get3A_122, %broadcast_in_dim3A_47 : vector<16xi32>
    %and3A_127 = arith.andi %and3A_125, %gt3A_126 : vector<16xi1>
    %jit3A_128 = arith.constant 1 : i32
    %jit3A_129 = arith.constant 0 : i32
    %broadcast_in_dim3A_130 = vector.broadcast %jit3A_128 : i32 to vector<16xi32>
    %broadcast_in_dim3A_131 = vector.broadcast %jit3A_129 : i32 to vector<16xi32>
    %select_n3A_132 = arith.select %and3A_127, %broadcast_in_dim3A_130, %broadcast_in_dim3A_131 : vector<16xi1>, vector<16xi32>
    %swap3A_133 = arith.constant 32 : index
    %swap3A_134 = tpu.vector_load %arg7[%swap3A_133] {strides = array<i32>} : memref<128xi32, #tpu.memory_space<vmem>>, vector<16xi32>,
    %swap3A_135 = vector.shape_cast %swap3A_134 : vector<16xi32> to vector<16xi32>
    %swap3A_136 = vector.shape_cast %select_n3A_132 : vector<16xi32> to vector<16xi32>
    tpu.vector_store %arg7[%swap3A_133], %swap3A_136 {strides = array<i32>} : memref<128xi32, #tpu.memory_space<vmem>>, vector<16xi32>,
    %get3A_137 = arith.constant 48 : index
    %get3A_138 = tpu.vector_load %arg5[%get3A_137] {strides = array<i32>} : memref<64xi32, #tpu.memory_space<vmem>>, vector<16xi32>,
    %get3A_139 = vector.shape_cast %get3A_138 : vector<16xi32> to vector<16xi32>
    %get3A_140 = arith.constant 48 : index
    %get3A_141 = tpu.vector_load %arg6[%get3A_140] {strides = array<i32>} : memref<64xi32, #tpu.memory_space<vmem>>, vector<16xi32>,
    %get3A_142 = vector.shape_cast %get3A_141 : vector<16xi32> to vector<16xi32>
    %ge3A_143 = arith.cmpi sge, %get3A_139, %broadcast_in_dim3A_79 : vector<16xi32>
    %le3A_144 = arith.cmpi sle, %get3A_139, %broadcast_in_dim3A_80 : vector<16xi32>
    %and3A_145 = arith.andi %ge3A_143, %le3A_144 : vector<16xi1>
    %gt3A_146 = arith.cmpi sgt, %get3A_142, %broadcast_in_dim3A_47 : vector<16xi32>
    %and3A_147 = arith.andi %and3A_145, %gt3A_146 : vector<16xi1>
    %jit3A_148 = arith.constant 1 : i32
    %jit3A_149 = arith.constant 0 : i32
    %broadcast_in_dim3A_150 = vector.broadcast %jit3A_148 : i32 to vector<16xi32>
    %broadcast_in_dim3A_151 = vector.broadcast %jit3A_149 : i32 to vector<16xi32>
    %select_n3A_152 = arith.select %and3A_147, %broadcast_in_dim3A_150, %broadcast_in_dim3A_151 : vector<16xi1>, vector<16xi32>
    %swap3A_153 = arith.constant 48 : index
    %swap3A_154 = tpu.vector_load %arg7[%swap3A_153] {strides = array<i32>} : memref<128xi32, #tpu.memory_space<vmem>>, vector<16xi32>,
    %swap3A_155 = vector.shape_cast %swap3A_154 : vector<16xi32> to vector<16xi32>
    %swap3A_156 = vector.shape_cast %select_n3A_152 : vector<16xi32> to vector<16xi32>
    tpu.vector_store %arg7[%swap3A_153], %swap3A_156 {strides = array<i32>} : memref<128xi32, #tpu.memory_space<vmem>>, vector<16xi32>,
    "tpu.region"() ({
      %run_scoped3A = tpu.sem_alloc : memref<!tpu.dma_semaphore, #tpu.memory_space<semaphore_mem>>
      %dma_start3A = arith.constant 0 : i32
      %dma_start3A_329 = tpu.memref_slice %arg4[%select_n3A, %select_n3A_34, %dma_start3A] : memref<4x16x128xi32, #tpu.memory_space<hbm>> -> memref<1x1x128xi32, #tpu.memory_space<hbm>>
      %dma_start3A_330 = tpu.memref_squeeze %dma_start3A_329 : memref<1x1x128xi32, #tpu.memory_space<hbm>> -> memref<128xi32, #tpu.memory_space<hbm>>
      %dma_start3A_331 = arith.constant 0 : i32
      %dma_start3A_332 = tpu.memref_slice %arg4[%select_n3A, %select_n3A_34, %dma_start3A_331] : memref<4x16x128xi32, #tpu.memory_space<hbm>> -> memref<1x1x128xi32, #tpu.memory_space<hbm>>
      %dma_start3A_333 = tpu.memref_squeeze %dma_start3A_332 : memref<1x1x128xi32, #tpu.memory_space<hbm>> -> memref<128xi32, #tpu.memory_space<hbm>>
      tpu.enqueue_dma source(%arg7 : memref<128xi32, #tpu.memory_space<vmem>>) target(%dma_start3A_333 : memref<128xi32, #tpu.memory_space<hbm>>) target_semaphore(%run_scoped3A : memref<!tpu.dma_semaphore, #tpu.memory_space<semaphore_mem>>)
      %dma_wait3A = arith.constant 0 : i32
      %dma_wait3A_334 = tpu.memref_slice %arg4[%select_n3A, %select_n3A_34, %dma_wait3A] : memref<4x16x128xi32, #tpu.memory_space<hbm>> -> memref<1x1x128xi32, #tpu.memory_space<hbm>>
      %dma_wait3A_335 = tpu.memref_squeeze %dma_wait3A_334 : memref<1x1x128xi32, #tpu.memory_space<hbm>> -> memref<128xi32, #tpu.memory_space<hbm>>
      %dma_wait3A_336 = arith.constant 0 : i32
      %dma_wait3A_337 = tpu.memref_slice %arg4[%select_n3A, %select_n3A_34, %dma_wait3A_336] : memref<4x16x128xi32, #tpu.memory_space<hbm>> -> memref<1x1x128xi32, #tpu.memory_space<hbm>>
      %dma_wait3A_338 = tpu.memref_squeeze %dma_wait3A_337 : memref<1x1x128xi32, #tpu.memory_space<hbm>> -> memref<128xi32, #tpu.memory_space<hbm>>
      tpu.wait_dma2 semaphore(%run_scoped3A : memref<!tpu.dma_semaphore, #tpu.memory_space<semaphore_mem>>) src(%arg7 : memref<128xi32, #tpu.memory_space<vmem>>) dst(%dma_wait3A_338 : memref<128xi32, #tpu.memory_space<hbm>>)
      tpu.yield
    }) : () -> ()
    %mul3A_157 = arith.constant 2 : i32
    %mul3A_158 = arith.muli %add3A, %mul3A_157 : i32
    %add3A_159 = arith.constant 1 : i32
    %add3A_160 = arith.addi %mul3A_158, %add3A_159 : i32
    %jit3A_161 = arith.constant 16 : i32
    %div3A_162 = arith.divsi %add3A_160, %jit3A_161 : i32
    %sign3A_163 = arith.constant 0 : i32
    %sign3A_164 = arith.cmpi sgt, %add3A_160, %sign3A_163 : i32
    %sign3A_165 = arith.extui %sign3A_164 : i1 to i32
    %sign3A_166 = arith.constant 0 : i32
    %sign3A_167 = arith.cmpi slt, %add3A_160, %sign3A_166 : i32
    %sign3A_168 = arith.extui %sign3A_167 : i1 to i32
    %sign3A_169 = arith.subi %sign3A_165, %sign3A_168 : i32
    %sign3A_170 = arith.constant 0 : i32
    %sign3A_171 = arith.cmpi sgt, %jit3A_161, %sign3A_170 : i32
    %sign3A_172 = arith.extui %sign3A_171 : i1 to i32
    %sign3A_173 = arith.constant 0 : i32
    %sign3A_174 = arith.cmpi slt, %jit3A_161, %sign3A_173 : i32
    %sign3A_175 = arith.extui %sign3A_174 : i1 to i32
    %sign3A_176 = arith.subi %sign3A_172, %sign3A_175 : i32
    %ne3A_177 = arith.cmpi ne, %sign3A_169, %sign3A_176 : i32
    %rem3A_178 = arith.remsi %add3A_160, %jit3A_161 : i32
    %ne3A_179 = arith.constant 0 : i32
    %ne3A_180 = arith.cmpi ne, %rem3A_178, %ne3A_179 : i32
    %and3A_181 = arith.andi %ne3A_177, %ne3A_180 : i1
    %sub3A_182 = arith.constant 1 : i32
    %sub3A_183 = arith.subi %div3A_162, %sub3A_182 : i32
    %select_n3A_184 = arith.select %and3A_181, %sub3A_183, %div3A_162 : i32
    %jit3A_185 = arith.constant 16 : i32
    %eq3A_186 = arith.constant 0 : i32
    %eq3A_187 = arith.cmpi eq, %jit3A_185, %eq3A_186 : i32
    %jit3A_188 = arith.constant 1 : i32
    %select_n3A_189 = arith.select %eq3A_187, %jit3A_188, %jit3A_185 : i32
    %rem3A_190 = arith.remsi %add3A_160, %select_n3A_189 : i32
    %ne3A_191 = arith.constant 0 : i32
    %ne3A_192 = arith.cmpi ne, %rem3A_190, %ne3A_191 : i32
    %lt3A_193 = arith.constant 0 : i32
    %lt3A_194 = arith.cmpi slt, %rem3A_190, %lt3A_193 : i32
    %lt3A_195 = arith.constant 0 : i32
    %lt3A_196 = arith.cmpi slt, %select_n3A_189, %lt3A_195 : i32
    %ne3A_197 = arith.xori %lt3A_194, %lt3A_196 : i1
    %and3A_198 = arith.andi %ne3A_197, %ne3A_192 : i1
    %add3A_199 = arith.addi %rem3A_190, %select_n3A_189 : i32
    %select_n3A_200 = arith.select %and3A_198, %add3A_199, %rem3A_190 : i32
    "tpu.region"() ({
      %run_scoped3A = tpu.sem_alloc : memref<!tpu.dma_semaphore, #tpu.memory_space<semaphore_mem>>
      %dma_start3A = arith.constant 0 : i32
      %dma_start3A_329 = tpu.memref_slice %arg2[%select_n3A_184, %dma_start3A] : memref<4x64xi32, #tpu.memory_space<hbm>> -> memref<1x64xi32, #tpu.memory_space<hbm>>
      %dma_start3A_330 = tpu.memref_squeeze %dma_start3A_329 : memref<1x64xi32, #tpu.memory_space<hbm>> -> memref<64xi32, #tpu.memory_space<hbm>>
      %dma_start3A_331 = arith.constant 0 : i32
      %dma_start3A_332 = tpu.memref_slice %arg2[%select_n3A_184, %dma_start3A_331] : memref<4x64xi32, #tpu.memory_space<hbm>> -> memref<1x64xi32, #tpu.memory_space<hbm>>
      %dma_start3A_333 = tpu.memref_squeeze %dma_start3A_332 : memref<1x64xi32, #tpu.memory_space<hbm>> -> memref<64xi32, #tpu.memory_space<hbm>>
      tpu.enqueue_dma source(%dma_start3A_333 : memref<64xi32, #tpu.memory_space<hbm>>) target(%arg5 : memref<64xi32, #tpu.memory_space<vmem>>) target_semaphore(%run_scoped3A : memref<!tpu.dma_semaphore, #tpu.memory_space<semaphore_mem>>)
      %dma_wait3A = arith.constant 0 : i32
      %dma_wait3A_334 = tpu.memref_slice %arg2[%select_n3A_184, %dma_wait3A] : memref<4x64xi32, #tpu.memory_space<hbm>> -> memref<1x64xi32, #tpu.memory_space<hbm>>
      %dma_wait3A_335 = tpu.memref_squeeze %dma_wait3A_334 : memref<1x64xi32, #tpu.memory_space<hbm>> -> memref<64xi32, #tpu.memory_space<hbm>>
      %dma_wait3A_336 = arith.constant 0 : i32
      %dma_wait3A_337 = tpu.memref_slice %arg2[%select_n3A_184, %dma_wait3A_336] : memref<4x64xi32, #tpu.memory_space<hbm>> -> memref<1x64xi32, #tpu.memory_space<hbm>>
      %dma_wait3A_338 = tpu.memref_squeeze %dma_wait3A_337 : memref<1x64xi32, #tpu.memory_space<hbm>> -> memref<64xi32, #tpu.memory_space<hbm>>
      tpu.wait_dma2 semaphore(%run_scoped3A : memref<!tpu.dma_semaphore, #tpu.memory_space<semaphore_mem>>) src(%dma_wait3A_338 : memref<64xi32, #tpu.memory_space<hbm>>) dst(%arg5 : memref<64xi32, #tpu.memory_space<vmem>>)
      tpu.yield
    }) : () -> ()
    "tpu.region"() ({
      %run_scoped3A = tpu.sem_alloc : memref<!tpu.dma_semaphore, #tpu.memory_space<semaphore_mem>>
      %dma_start3A = arith.constant 0 : i32
      %dma_start3A_329 = tpu.memref_slice %arg3[%select_n3A_184, %dma_start3A] : memref<4x64xi32, #tpu.memory_space<hbm>> -> memref<1x64xi32, #tpu.memory_space<hbm>>
      %dma_start3A_330 = tpu.memref_squeeze %dma_start3A_329 : memref<1x64xi32, #tpu.memory_space<hbm>> -> memref<64xi32, #tpu.memory_space<hbm>>
      %dma_start3A_331 = arith.constant 0 : i32
      %dma_start3A_332 = tpu.memref_slice %arg3[%select_n3A_184, %dma_start3A_331] : memref<4x64xi32, #tpu.memory_space<hbm>> -> memref<1x64xi32, #tpu.memory_space<hbm>>
      %dma_start3A_333 = tpu.memref_squeeze %dma_start3A_332 : memref<1x64xi32, #tpu.memory_space<hbm>> -> memref<64xi32, #tpu.memory_space<hbm>>
      tpu.enqueue_dma source(%dma_start3A_333 : memref<64xi32, #tpu.memory_space<hbm>>) target(%arg6 : memref<64xi32, #tpu.memory_space<vmem>>) target_semaphore(%run_scoped3A : memref<!tpu.dma_semaphore, #tpu.memory_space<semaphore_mem>>)
      %dma_wait3A = arith.constant 0 : i32
      %dma_wait3A_334 = tpu.memref_slice %arg3[%select_n3A_184, %dma_wait3A] : memref<4x64xi32, #tpu.memory_space<hbm>> -> memref<1x64xi32, #tpu.memory_space<hbm>>
      %dma_wait3A_335 = tpu.memref_squeeze %dma_wait3A_334 : memref<1x64xi32, #tpu.memory_space<hbm>> -> memref<64xi32, #tpu.memory_space<hbm>>
      %dma_wait3A_336 = arith.constant 0 : i32
      %dma_wait3A_337 = tpu.memref_slice %arg3[%select_n3A_184, %dma_wait3A_336] : memref<4x64xi32, #tpu.memory_space<hbm>> -> memref<1x64xi32, #tpu.memory_space<hbm>>
      %dma_wait3A_338 = tpu.memref_squeeze %dma_wait3A_337 : memref<1x64xi32, #tpu.memory_space<hbm>> -> memref<64xi32, #tpu.memory_space<hbm>>
      tpu.wait_dma2 semaphore(%run_scoped3A : memref<!tpu.dma_semaphore, #tpu.memory_space<semaphore_mem>>) src(%dma_wait3A_338 : memref<64xi32, #tpu.memory_space<hbm>>) dst(%arg6 : memref<64xi32, #tpu.memory_space<vmem>>)
      tpu.yield
    }) : () -> ()
    %mul3A_201 = arith.constant 8 : i32
    %mul3A_202 = arith.muli %mul3A_201, %select_n3A_200 : i32
    %sub3A_203 = arith.constant 16 : i32
    %sub3A_204 = arith.subi %mul3A_202, %sub3A_203 : i32
    %mul3A_205 = arith.constant 8 : i32
    %mul3A_206 = arith.muli %mul3A_205, %select_n3A_200 : i32
    %add3A_207 = arith.constant 8 : i32
    %add3A_208 = arith.addi %mul3A_206, %add3A_207 : i32
    %sub3A_209 = arith.constant 1 : i32
    %sub3A_210 = arith.subi %add3A_208, %sub3A_209 : i32
    %add3A_211 = arith.constant 16 : i32
    %add3A_212 = arith.addi %sub3A_210, %add3A_211 : i32
    %broadcast_in_dim3A_213 = arith.constant 0 : i32
    %broadcast_in_dim3A_214 = vector.broadcast %broadcast_in_dim3A_213 : i32 to vector<16xi32>
    %swap3A_215 = arith.constant 0 : index
    %swap3A_216 = tpu.vector_load %arg7[%swap3A_215] {strides = array<i32>} : memref<128xi32, #tpu.memory_space<vmem>>, vector<16xi32>,
    %swap3A_217 = vector.shape_cast %swap3A_216 : vector<16xi32> to vector<16xi32>
    %swap3A_218 = vector.shape_cast %broadcast_in_dim3A_214 : vector<16xi32> to vector<16xi32>
    tpu.vector_store %arg7[%swap3A_215], %swap3A_218 {strides = array<i32>} : memref<128xi32, #tpu.memory_space<vmem>>, vector<16xi32>,
    %swap3A_219 = arith.constant 16 : index
    %swap3A_220 = tpu.vector_load %arg7[%swap3A_219] {strides = array<i32>} : memref<128xi32, #tpu.memory_space<vmem>>, vector<16xi32>,
    %swap3A_221 = vector.shape_cast %swap3A_220 : vector<16xi32> to vector<16xi32>
    %swap3A_222 = vector.shape_cast %broadcast_in_dim3A_214 : vector<16xi32> to vector<16xi32>
    tpu.vector_store %arg7[%swap3A_219], %swap3A_222 {strides = array<i32>} : memref<128xi32, #tpu.memory_space<vmem>>, vector<16xi32>,
    %swap3A_223 = arith.constant 32 : index
    %swap3A_224 = tpu.vector_load %arg7[%swap3A_223] {strides = array<i32>} : memref<128xi32, #tpu.memory_space<vmem>>, vector<16xi32>,
    %swap3A_225 = vector.shape_cast %swap3A_224 : vector<16xi32> to vector<16xi32>
    %swap3A_226 = vector.shape_cast %broadcast_in_dim3A_214 : vector<16xi32> to vector<16xi32>
    tpu.vector_store %arg7[%swap3A_223], %swap3A_226 {strides = array<i32>} : memref<128xi32, #tpu.memory_space<vmem>>, vector<16xi32>,
    %swap3A_227 = arith.constant 48 : index
    %swap3A_228 = tpu.vector_load %arg7[%swap3A_227] {strides = array<i32>} : memref<128xi32, #tpu.memory_space<vmem>>, vector<16xi32>,
    %swap3A_229 = vector.shape_cast %swap3A_228 : vector<16xi32> to vector<16xi32>
    %swap3A_230 = vector.shape_cast %broadcast_in_dim3A_214 : vector<16xi32> to vector<16xi32>
    tpu.vector_store %arg7[%swap3A_227], %swap3A_230 {strides = array<i32>} : memref<128xi32, #tpu.memory_space<vmem>>, vector<16xi32>,
    %swap3A_231 = arith.constant 64 : index
    %swap3A_232 = tpu.vector_load %arg7[%swap3A_231] {strides = array<i32>} : memref<128xi32, #tpu.memory_space<vmem>>, vector<16xi32>,
    %swap3A_233 = vector.shape_cast %swap3A_232 : vector<16xi32> to vector<16xi32>
    %swap3A_234 = vector.shape_cast %broadcast_in_dim3A_214 : vector<16xi32> to vector<16xi32>
    tpu.vector_store %arg7[%swap3A_231], %swap3A_234 {strides = array<i32>} : memref<128xi32, #tpu.memory_space<vmem>>, vector<16xi32>,
    %swap3A_235 = arith.constant 80 : index
    %swap3A_236 = tpu.vector_load %arg7[%swap3A_235] {strides = array<i32>} : memref<128xi32, #tpu.memory_space<vmem>>, vector<16xi32>,
    %swap3A_237 = vector.shape_cast %swap3A_236 : vector<16xi32> to vector<16xi32>
    %swap3A_238 = vector.shape_cast %broadcast_in_dim3A_214 : vector<16xi32> to vector<16xi32>
    tpu.vector_store %arg7[%swap3A_235], %swap3A_238 {strides = array<i32>} : memref<128xi32, #tpu.memory_space<vmem>>, vector<16xi32>,
    %swap3A_239 = arith.constant 96 : index
    %swap3A_240 = tpu.vector_load %arg7[%swap3A_239] {strides = array<i32>} : memref<128xi32, #tpu.memory_space<vmem>>, vector<16xi32>,
    %swap3A_241 = vector.shape_cast %swap3A_240 : vector<16xi32> to vector<16xi32>
    %swap3A_242 = vector.shape_cast %broadcast_in_dim3A_214 : vector<16xi32> to vector<16xi32>
    tpu.vector_store %arg7[%swap3A_239], %swap3A_242 {strides = array<i32>} : memref<128xi32, #tpu.memory_space<vmem>>, vector<16xi32>,
    %swap3A_243 = arith.constant 112 : index
    %swap3A_244 = tpu.vector_load %arg7[%swap3A_243] {strides = array<i32>} : memref<128xi32, #tpu.memory_space<vmem>>, vector<16xi32>,
    %swap3A_245 = vector.shape_cast %swap3A_244 : vector<16xi32> to vector<16xi32>
    %swap3A_246 = vector.shape_cast %broadcast_in_dim3A_214 : vector<16xi32> to vector<16xi32>
    tpu.vector_store %arg7[%swap3A_243], %swap3A_246 {strides = array<i32>} : memref<128xi32, #tpu.memory_space<vmem>>, vector<16xi32>,
    %broadcast_in_dim3A_247 = vector.broadcast %sub3A_204 : i32 to vector<16xi32>
    %broadcast_in_dim3A_248 = vector.broadcast %add3A_212 : i32 to vector<16xi32>
    %get3A_249 = arith.constant 0 : index
    %get3A_250 = tpu.vector_load %arg5[%get3A_249] {strides = array<i32>} : memref<64xi32, #tpu.memory_space<vmem>>, vector<16xi32>,
    %get3A_251 = vector.shape_cast %get3A_250 : vector<16xi32> to vector<16xi32>
    %get3A_252 = arith.constant 0 : index
    %get3A_253 = tpu.vector_load %arg6[%get3A_252] {strides = array<i32>} : memref<64xi32, #tpu.memory_space<vmem>>, vector<16xi32>,
    %get3A_254 = vector.shape_cast %get3A_253 : vector<16xi32> to vector<16xi32>
    %ge3A_255 = arith.cmpi sge, %get3A_251, %broadcast_in_dim3A_247 : vector<16xi32>
    %le3A_256 = arith.cmpi sle, %get3A_251, %broadcast_in_dim3A_248 : vector<16xi32>
    %and3A_257 = arith.andi %ge3A_255, %le3A_256 : vector<16xi1>
    %gt3A_258 = arith.cmpi sgt, %get3A_254, %broadcast_in_dim3A_214 : vector<16xi32>
    %and3A_259 = arith.andi %and3A_257, %gt3A_258 : vector<16xi1>
    %jit3A_260 = arith.constant 1 : i32
    %jit3A_261 = arith.constant 0 : i32
    %broadcast_in_dim3A_262 = vector.broadcast %jit3A_260 : i32 to vector<16xi32>
    %broadcast_in_dim3A_263 = vector.broadcast %jit3A_261 : i32 to vector<16xi32>
    %select_n3A_264 = arith.select %and3A_259, %broadcast_in_dim3A_262, %broadcast_in_dim3A_263 : vector<16xi1>, vector<16xi32>
    %swap3A_265 = arith.constant 0 : index
    %swap3A_266 = tpu.vector_load %arg7[%swap3A_265] {strides = array<i32>} : memref<128xi32, #tpu.memory_space<vmem>>, vector<16xi32>,
    %swap3A_267 = vector.shape_cast %swap3A_266 : vector<16xi32> to vector<16xi32>
    %swap3A_268 = vector.shape_cast %select_n3A_264 : vector<16xi32> to vector<16xi32>
    tpu.vector_store %arg7[%swap3A_265], %swap3A_268 {strides = array<i32>} : memref<128xi32, #tpu.memory_space<vmem>>, vector<16xi32>,
    %get3A_269 = arith.constant 16 : index
    %get3A_270 = tpu.vector_load %arg5[%get3A_269] {strides = array<i32>} : memref<64xi32, #tpu.memory_space<vmem>>, vector<16xi32>,
    %get3A_271 = vector.shape_cast %get3A_270 : vector<16xi32> to vector<16xi32>
    %get3A_272 = arith.constant 16 : index
    %get3A_273 = tpu.vector_load %arg6[%get3A_272] {strides = array<i32>} : memref<64xi32, #tpu.memory_space<vmem>>, vector<16xi32>,
    %get3A_274 = vector.shape_cast %get3A_273 : vector<16xi32> to vector<16xi32>
    %ge3A_275 = arith.cmpi sge, %get3A_271, %broadcast_in_dim3A_247 : vector<16xi32>
    %le3A_276 = arith.cmpi sle, %get3A_271, %broadcast_in_dim3A_248 : vector<16xi32>
    %and3A_277 = arith.andi %ge3A_275, %le3A_276 : vector<16xi1>
    %gt3A_278 = arith.cmpi sgt, %get3A_274, %broadcast_in_dim3A_214 : vector<16xi32>
    %and3A_279 = arith.andi %and3A_277, %gt3A_278 : vector<16xi1>
    %jit3A_280 = arith.constant 1 : i32
    %jit3A_281 = arith.constant 0 : i32
    %broadcast_in_dim3A_282 = vector.broadcast %jit3A_280 : i32 to vector<16xi32>
    %broadcast_in_dim3A_283 = vector.broadcast %jit3A_281 : i32 to vector<16xi32>
    %select_n3A_284 = arith.select %and3A_279, %broadcast_in_dim3A_282, %broadcast_in_dim3A_283 : vector<16xi1>, vector<16xi32>
    %swap3A_285 = arith.constant 16 : index
    %swap3A_286 = tpu.vector_load %arg7[%swap3A_285] {strides = array<i32>} : memref<128xi32, #tpu.memory_space<vmem>>, vector<16xi32>,
    %swap3A_287 = vector.shape_cast %swap3A_286 : vector<16xi32> to vector<16xi32>
    %swap3A_288 = vector.shape_cast %select_n3A_284 : vector<16xi32> to vector<16xi32>
    tpu.vector_store %arg7[%swap3A_285], %swap3A_288 {strides = array<i32>} : memref<128xi32, #tpu.memory_space<vmem>>, vector<16xi32>,
    %get3A_289 = arith.constant 32 : index
    %get3A_290 = tpu.vector_load %arg5[%get3A_289] {strides = array<i32>} : memref<64xi32, #tpu.memory_space<vmem>>, vector<16xi32>,
    %get3A_291 = vector.shape_cast %get3A_290 : vector<16xi32> to vector<16xi32>
    %get3A_292 = arith.constant 32 : index
    %get3A_293 = tpu.vector_load %arg6[%get3A_292] {strides = array<i32>} : memref<64xi32, #tpu.memory_space<vmem>>, vector<16xi32>,
    %get3A_294 = vector.shape_cast %get3A_293 : vector<16xi32> to vector<16xi32>
    %ge3A_295 = arith.cmpi sge, %get3A_291, %broadcast_in_dim3A_247 : vector<16xi32>
    %le3A_296 = arith.cmpi sle, %get3A_291, %broadcast_in_dim3A_248 : vector<16xi32>
    %and3A_297 = arith.andi %ge3A_295, %le3A_296 : vector<16xi1>
    %gt3A_298 = arith.cmpi sgt, %get3A_294, %broadcast_in_dim3A_214 : vector<16xi32>
    %and3A_299 = arith.andi %and3A_297, %gt3A_298 : vector<16xi1>
    %jit3A_300 = arith.constant 1 : i32
    %jit3A_301 = arith.constant 0 : i32
    %broadcast_in_dim3A_302 = vector.broadcast %jit3A_300 : i32 to vector<16xi32>
    %broadcast_in_dim3A_303 = vector.broadcast %jit3A_301 : i32 to vector<16xi32>
    %select_n3A_304 = arith.select %and3A_299, %broadcast_in_dim3A_302, %broadcast_in_dim3A_303 : vector<16xi1>, vector<16xi32>
    %swap3A_305 = arith.constant 32 : index
    %swap3A_306 = tpu.vector_load %arg7[%swap3A_305] {strides = array<i32>} : memref<128xi32, #tpu.memory_space<vmem>>, vector<16xi32>,
    %swap3A_307 = vector.shape_cast %swap3A_306 : vector<16xi32> to vector<16xi32>
    %swap3A_308 = vector.shape_cast %select_n3A_304 : vector<16xi32> to vector<16xi32>
    tpu.vector_store %arg7[%swap3A_305], %swap3A_308 {strides = array<i32>} : memref<128xi32, #tpu.memory_space<vmem>>, vector<16xi32>,
    %get3A_309 = arith.constant 48 : index
    %get3A_310 = tpu.vector_load %arg5[%get3A_309] {strides = array<i32>} : memref<64xi32, #tpu.memory_space<vmem>>, vector<16xi32>,
    %get3A_311 = vector.shape_cast %get3A_310 : vector<16xi32> to vector<16xi32>
    %get3A_312 = arith.constant 48 : index
    %get3A_313 = tpu.vector_load %arg6[%get3A_312] {strides = array<i32>} : memref<64xi32, #tpu.memory_space<vmem>>, vector<16xi32>,
    %get3A_314 = vector.shape_cast %get3A_313 : vector<16xi32> to vector<16xi32>
    %ge3A_315 = arith.cmpi sge, %get3A_311, %broadcast_in_dim3A_247 : vector<16xi32>
    %le3A_316 = arith.cmpi sle, %get3A_311, %broadcast_in_dim3A_248 : vector<16xi32>
    %and3A_317 = arith.andi %ge3A_315, %le3A_316 : vector<16xi1>
    %gt3A_318 = arith.cmpi sgt, %get3A_314, %broadcast_in_dim3A_214 : vector<16xi32>
    %and3A_319 = arith.andi %and3A_317, %gt3A_318 : vector<16xi1>
    %jit3A_320 = arith.constant 1 : i32
    %jit3A_321 = arith.constant 0 : i32
    %broadcast_in_dim3A_322 = vector.broadcast %jit3A_320 : i32 to vector<16xi32>
    %broadcast_in_dim3A_323 = vector.broadcast %jit3A_321 : i32 to vector<16xi32>
    %select_n3A_324 = arith.select %and3A_319, %broadcast_in_dim3A_322, %broadcast_in_dim3A_323 : vector<16xi1>, vector<16xi32>
    %swap3A_325 = arith.constant 48 : index
    %swap3A_326 = tpu.vector_load %arg7[%swap3A_325] {strides = array<i32>} : memref<128xi32, #tpu.memory_space<vmem>>, vector<16xi32>,
    %swap3A_327 = vector.shape_cast %swap3A_326 : vector<16xi32> to vector<16xi32>
    %swap3A_328 = vector.shape_cast %select_n3A_324 : vector<16xi32> to vector<16xi32>
    tpu.vector_store %arg7[%swap3A_325], %swap3A_328 {strides = array<i32>} : memref<128xi32, #tpu.memory_space<vmem>>, vector<16xi32>,
    "tpu.region"() ({
      %run_scoped3A = tpu.sem_alloc : memref<!tpu.dma_semaphore, #tpu.memory_space<semaphore_mem>>
      %dma_start3A = arith.constant 0 : i32
      %dma_start3A_329 = tpu.memref_slice %arg4[%select_n3A_184, %select_n3A_200, %dma_start3A] : memref<4x16x128xi32, #tpu.memory_space<hbm>> -> memref<1x1x128xi32, #tpu.memory_space<hbm>>
      %dma_start3A_330 = tpu.memref_squeeze %dma_start3A_329 : memref<1x1x128xi32, #tpu.memory_space<hbm>> -> memref<128xi32, #tpu.memory_space<hbm>>
      %dma_start3A_331 = arith.constant 0 : i32
      %dma_start3A_332 = tpu.memref_slice %arg4[%select_n3A_184, %select_n3A_200, %dma_start3A_331] : memref<4x16x128xi32, #tpu.memory_space<hbm>> -> memref<1x1x128xi32, #tpu.memory_space<hbm>>
      %dma_start3A_333 = tpu.memref_squeeze %dma_start3A_332 : memref<1x1x128xi32, #tpu.memory_space<hbm>> -> memref<128xi32, #tpu.memory_space<hbm>>
      tpu.enqueue_dma source(%arg7 : memref<128xi32, #tpu.memory_space<vmem>>) target(%dma_start3A_333 : memref<128xi32, #tpu.memory_space<hbm>>) target_semaphore(%run_scoped3A : memref<!tpu.dma_semaphore, #tpu.memory_space<semaphore_mem>>)
      %dma_wait3A = arith.constant 0 : i32
      %dma_wait3A_334 = tpu.memref_slice %arg4[%select_n3A_184, %select_n3A_200, %dma_wait3A] : memref<4x16x128xi32, #tpu.memory_space<hbm>> -> memref<1x1x128xi32, #tpu.memory_space<hbm>>
      %dma_wait3A_335 = tpu.memref_squeeze %dma_wait3A_334 : memref<1x1x128xi32, #tpu.memory_space<hbm>> -> memref<128xi32, #tpu.memory_space<hbm>>
      %dma_wait3A_336 = arith.constant 0 : i32
      %dma_wait3A_337 = tpu.memref_slice %arg4[%select_n3A_184, %select_n3A_200, %dma_wait3A_336] : memref<4x16x128xi32, #tpu.memory_space<hbm>> -> memref<1x1x128xi32, #tpu.memory_space<hbm>>
      %dma_wait3A_338 = tpu.memref_squeeze %dma_wait3A_337 : memref<1x1x128xi32, #tpu.memory_space<hbm>> -> memref<128xi32, #tpu.memory_space<hbm>>
      tpu.wait_dma2 semaphore(%run_scoped3A : memref<!tpu.dma_semaphore, #tpu.memory_space<semaphore_mem>>) src(%arg7 : memref<128xi32, #tpu.memory_space<vmem>>) dst(%dma_wait3A_338 : memref<128xi32, #tpu.memory_space<hbm>>)
      tpu.yield
    }) : () -> ()
    return
  }
}

module attributes {stable_mosaic.version = 14 : i64} {
  func.func @_dafusion_block(%arg0: i32, %arg1: i32, %arg2: memref<1x1x64xi32, #tpu.memory_space<smem>>, %arg3: memref<1x1x64xi32, #tpu.memory_space<smem>>, %arg4: memref<1x1x128xi32, #tpu.memory_space<smem>>, %arg5: memref<1x1xf32, #tpu.memory_space<smem>>, %arg6: memref<1x256x1024xf32, #tpu.memory_space<vmem>>, %arg7: memref<1x1x1024xf32, #tpu.memory_space<vmem>>, %arg8: memref<1x64x1xf32, #tpu.memory_space<vmem>>, %arg9: memref<1x64x64xf32, #tpu.memory_space<vmem>>, %arg10: memref<1x64x32xf32, #tpu.memory_space<vmem>>, %arg11: memref<64x64xf32, #tpu.memory_space<vmem>>, %arg12: memref<1x64xf32, #tpu.memory_space<vmem>>, %arg13: memref<64x64xf32, #tpu.memory_space<vmem>>, %arg14: memref<1x64xf32, #tpu.memory_space<vmem>>, %arg15: memref<32x64xf32, #tpu.memory_space<vmem>>, %arg16: memref<1x64xf32, #tpu.memory_space<vmem>>, %arg17: memref<64x64xf32, #tpu.memory_space<vmem>>, %arg18: memref<1x64xf32, #tpu.memory_space<vmem>>, %arg19: memref<64x256xf32, #tpu.memory_space<vmem>>, %arg20: memref<64x1xf32, #tpu.memory_space<vmem>>, %arg21: memref<64x64xf32, #tpu.memory_space<vmem>>, %arg22: memref<64x64xf32, #tpu.memory_space<vmem>>, %arg23: memref<4x64xf32, #tpu.memory_space<vmem>>, %arg24: memref<1x64xf32, #tpu.memory_space<vmem>>, %arg25: memref<64x1xf32, #tpu.memory_space<vmem>>, %arg26: memref<1x64x1024xf32, #tpu.memory_space<vmem>>, %arg27: memref<1x1x1024xf32, #tpu.memory_space<vmem>>, %arg28: memref<64x1024xf32, #tpu.memory_space<vmem>>, %arg29: memref<64x1024xf32, #tpu.memory_space<vmem>>, %arg30: memref<64x64xf32, #tpu.memory_space<vmem>>, %arg31: memref<64x64xf32, #tpu.memory_space<vmem>>, %arg32: memref<64x64xf32, #tpu.memory_space<vmem>>, %arg33: memref<64xi32, #tpu.memory_space<smem>>) attributes {dimension_semantics = [#tpu.dimension_semantics<parallel>, #tpu.dimension_semantics<arbitrary>], iteration_bounds = array<i64: 4, 16>, scalar_prefetch = 0 : i64, scratch_operands = 6 : i64, tpu.core_type = #tpu.core_type<tc>, window_params = [{transform_indices = @transform_0, window_bounds = array<i64: 1, 1, 64>}, {transform_indices = @transform_1, window_bounds = array<i64: 1, 1, 64>}, {transform_indices = @transform_2, window_bounds = array<i64: 1, 1, 128>}, {transform_indices = @transform_3, window_bounds = array<i64: 1, 1>}, {transform_indices = @transform_4, window_bounds = array<i64: 1, 256, 1024>}, {transform_indices = @transform_5, window_bounds = array<i64: 1, 1, 1024>}, {transform_indices = @transform_6, window_bounds = array<i64: 1, 64, 1>}, {transform_indices = @transform_7, window_bounds = array<i64: 1, 64, 64>}, {transform_indices = @transform_8, window_bounds = array<i64: 1, 64, 32>}, {pipeline_mode = #tpu.pipeline_mode<synchronous>, transform_indices = @transform_9, window_bounds = array<i64: 64, 64>}, {pipeline_mode = #tpu.pipeline_mode<synchronous>, transform_indices = @transform_10, window_bounds = array<i64: 1, 64>}, {pipeline_mode = #tpu.pipeline_mode<synchronous>, transform_indices = @transform_11, window_bounds = array<i64: 64, 64>}, {pipeline_mode = #tpu.pipeline_mode<synchronous>, transform_indices = @transform_12, window_bounds = array<i64: 1, 64>}, {pipeline_mode = #tpu.pipeline_mode<synchronous>, transform_indices = @transform_13, window_bounds = array<i64: 32, 64>}, {pipeline_mode = #tpu.pipeline_mode<synchronous>, transform_indices = @transform_14, window_bounds = array<i64: 1, 64>}, {pipeline_mode = #tpu.pipeline_mode<synchronous>, transform_indices = @transform_15, window_bounds = array<i64: 64, 64>}, {pipeline_mode = #tpu.pipeline_mode<synchronous>, transform_indices = @transform_16, window_bounds = array<i64: 1, 64>}, {pipeline_mode = #tpu.pipeline_mode<synchronous>, transform_indices = @transform_17, window_bounds = array<i64: 64, 256>}, {pipeline_mode = #tpu.pipeline_mode<synchronous>, transform_indices = @transform_18, window_bounds = array<i64: 64, 1>}, {pipeline_mode = #tpu.pipeline_mode<synchronous>, transform_indices = @transform_19, window_bounds = array<i64: 64, 64>}, {pipeline_mode = #tpu.pipeline_mode<synchronous>, transform_indices = @transform_20, window_bounds = array<i64: 64, 64>}, {pipeline_mode = #tpu.pipeline_mode<synchronous>, transform_indices = @transform_21, window_bounds = array<i64: 4, 64>}, {pipeline_mode = #tpu.pipeline_mode<synchronous>, transform_indices = @transform_22, window_bounds = array<i64: 1, 64>}, {pipeline_mode = #tpu.pipeline_mode<synchronous>, transform_indices = @transform_23, window_bounds = array<i64: 64, 1>}, {transform_indices = @transform_24, window_bounds = array<i64: 1, 64, 1024>}, {transform_indices = @transform_25, window_bounds = array<i64: 1, 1, 1024>}]} {
    %get3A = arith.constant 0 : index
    %get3A_0 = arith.constant 0 : index
    %get3A_1 = arith.constant 0 : index
    %get3A_2 = vector.load %arg6[%get3A, %get3A_0, %get3A_1] : memref<1x256x1024xf32, #tpu.memory_space<vmem>>, vector<1x256x1024xf32>
    %get3A_3 = vector.shape_cast %get3A_2 : vector<1x256x1024xf32> to vector<256x1024xf32>
    %get3A_4 = arith.constant 0 : index
    %get3A_5 = arith.constant 0 : index
    %get3A_6 = vector.load %arg19[%get3A_4, %get3A_5] : memref<64x256xf32, #tpu.memory_space<vmem>>, vector<64x256xf32>
    %dot_general3A = arith.constant dense<0.000000e+00> : vector<64x1024xf32>
    %dot_general3A_7 = tpu.matmul %get3A_6, %get3A_3, %dot_general3A {dimension_numbers = #tpu.dot_dimension_numbers<[1], [0], [0], [1], [0, 0, 1, 1], [], []>, transpose_lhs_hint = false} : vector<64x256xf32>, vector<256x1024xf32>, vector<64x1024xf32> -> vector<64x1024xf32>
    %get3A_8 = arith.constant 0 : index
    %get3A_9 = arith.constant 0 : index
    %get3A_10 = vector.load %arg20[%get3A_8, %get3A_9] : memref<64x1xf32, #tpu.memory_space<vmem>>, vector<64x1xf32>
    %add3A = vector.broadcast %get3A_10 : vector<64x1xf32> to vector<64x1024xf32>
    %add3A_11 = arith.addf %dot_general3A_7, %add3A : vector<64x1024xf32>
    %max3A = arith.constant 0.000000e+00 : f32
    %max3A_12 = vector.broadcast %max3A : f32 to vector<64x1024xf32>
    %max3A_13 = arith.maximumf %add3A_11, %max3A_12 : vector<64x1024xf32>
    %get3A_14 = arith.constant 0 : index
    %get3A_15 = arith.constant 0 : index
    %get3A_16 = vector.load %arg23[%get3A_14, %get3A_15] : memref<4x64xf32, #tpu.memory_space<vmem>>, vector<1x64xf32>
    %reshape3A = vector.shape_cast %get3A_16 : vector<1x64xf32> to vector<64x1xf32>
    %get3A_17 = arith.constant 1 : index
    %get3A_18 = arith.constant 0 : index
    %get3A_19 = vector.load %arg23[%get3A_17, %get3A_18] : memref<4x64xf32, #tpu.memory_space<vmem>>, vector<1x64xf32>
    %reshape3A_20 = vector.shape_cast %get3A_19 : vector<1x64xf32> to vector<64x1xf32>
    %get3A_21 = arith.constant 2 : index
    %get3A_22 = arith.constant 0 : index
    %get3A_23 = vector.load %arg23[%get3A_21, %get3A_22] : memref<4x64xf32, #tpu.memory_space<vmem>>, vector<1x64xf32>
    %reshape3A_24 = vector.shape_cast %get3A_23 : vector<1x64xf32> to vector<64x1xf32>
    %get3A_25 = arith.constant 3 : index
    %get3A_26 = arith.constant 0 : index
    %get3A_27 = vector.load %arg23[%get3A_25, %get3A_26] : memref<4x64xf32, #tpu.memory_space<vmem>>, vector<1x64xf32>
    %reshape3A_28 = vector.shape_cast %get3A_27 : vector<1x64xf32> to vector<64x1xf32>
    %get3A_29 = arith.constant 0 : index
    %get3A_30 = arith.constant 0 : index
    %get3A_31 = arith.constant 0 : index
    %get3A_32 = vector.load %arg7[%get3A_29, %get3A_30, %get3A_31] : memref<1x1x1024xf32, #tpu.memory_space<vmem>>, vector<1x1x1024xf32>
    %get3A_33 = vector.shape_cast %get3A_32 : vector<1x1x1024xf32> to vector<1x1024xf32>
    %get3A_34 = arith.constant 0 : index
    %get3A_35 = arith.constant 0 : index
    %get3A_36 = vector.load %arg21[%get3A_34, %get3A_35] : memref<64x64xf32, #tpu.memory_space<vmem>>, vector<64x64xf32>
    %dot_general3A_37 = arith.constant dense<0.000000e+00> : vector<64x1024xf32>
    %dot_general3A_38 = tpu.matmul %get3A_36, %max3A_13, %dot_general3A_37 {dimension_numbers = #tpu.dot_dimension_numbers<[1], [0], [0], [1], [0, 0, 1, 1], [], []>, transpose_lhs_hint = false} : vector<64x64xf32>, vector<64x1024xf32>, vector<64x1024xf32> -> vector<64x1024xf32>
    %mul3A = arith.constant 1.000000e-03 : f32
    %mul3A_39 = vector.broadcast %mul3A : f32 to vector<64x1xf32>
    %mul3A_40 = arith.mulf %reshape3A_28, %mul3A_39 : vector<64x1xf32>
    %mul3A_41 = vector.broadcast %mul3A_40 : vector<64x1xf32> to vector<64x1024xf32>
    %mul3A_42 = vector.broadcast %get3A_33 : vector<1x1024xf32> to vector<64x1024xf32>
    %mul3A_43 = arith.mulf %mul3A_41, %mul3A_42 : vector<64x1024xf32>
    %add3A_44 = arith.addf %dot_general3A_38, %mul3A_43 : vector<64x1024xf32>
    %get3A_45 = arith.constant 0 : index
    %get3A_46 = arith.constant 0 : index
    %get3A_47 = vector.load %arg25[%get3A_45, %get3A_46] : memref<64x1xf32, #tpu.memory_space<vmem>>, vector<64x1xf32>
    %add3A_48 = vector.broadcast %get3A_47 : vector<64x1xf32> to vector<64x1024xf32>
    %add3A_49 = arith.addf %add3A_44, %add3A_48 : vector<64x1024xf32>
    %swap3A = arith.constant 0 : index
    %swap3A_50 = arith.constant 0 : index
    %swap3A_51 = vector.load %arg29[%swap3A, %swap3A_50] : memref<64x1024xf32, #tpu.memory_space<vmem>>, vector<64x1024xf32>
    tpu.vector_store %arg29[%swap3A, %swap3A_50], %add3A_49 {strides = array<i32>} : memref<64x1024xf32, #tpu.memory_space<vmem>>, vector<64x1024xf32>,
    %eq3A = arith.constant 0 : i32
    %eq3A_52 = arith.cmpi eq, %arg1, %eq3A : i32
    %convert_element_type3A = arith.extui %eq3A_52 : i1 to i32
    %cond3A = arith.constant 0 : i32
    %cond3A_53 = arith.cmpi ne, %convert_element_type3A, %cond3A : i32
    scf.if %cond3A_53 {
      %get3A_715 = arith.constant 0 : index
      %get3A_716 = arith.constant 0 : index
      %get3A_717 = arith.constant 0 : index
      %get3A_718 = vector.load %arg9[%get3A_715, %get3A_716, %get3A_717] : memref<1x64x64xf32, #tpu.memory_space<vmem>>, vector<1x64x64xf32>
      %get3A_719 = vector.shape_cast %get3A_718 : vector<1x64x64xf32> to vector<64x64xf32>
      %get3A_720 = arith.constant 0 : index
      %get3A_721 = arith.constant 0 : index
      %get3A_722 = vector.load %arg11[%get3A_720, %get3A_721] : memref<64x64xf32, #tpu.memory_space<vmem>>, vector<64x64xf32>
      %dot_general3A_723 = arith.constant dense<0.000000e+00> : vector<64x64xf32>
      %dot_general3A_724 = tpu.matmul %get3A_719, %get3A_722, %dot_general3A_723 {dimension_numbers = #tpu.dot_dimension_numbers<[1], [0], [0], [1], [0, 0, 1, 1], [], []>, transpose_lhs_hint = false} : vector<64x64xf32>, vector<64x64xf32>, vector<64x64xf32> -> vector<64x64xf32>
      %get3A_725 = arith.constant 0 : index
      %get3A_726 = arith.constant 0 : index
      %get3A_727 = vector.load %arg12[%get3A_725, %get3A_726] : memref<1x64xf32, #tpu.memory_space<vmem>>, vector<1x64xf32>
      %add3A_728 = vector.broadcast %get3A_727 : vector<1x64xf32> to vector<64x64xf32>
      %add3A_729 = arith.addf %dot_general3A_724, %add3A_728 : vector<64x64xf32>
      %max3A_730 = arith.constant 0.000000e+00 : f32
      %max3A_731 = vector.broadcast %max3A_730 : f32 to vector<64x64xf32>
      %max3A_732 = arith.maximumf %add3A_729, %max3A_731 : vector<64x64xf32>
      %get3A_733 = arith.constant 0 : index
      %get3A_734 = arith.constant 0 : index
      %get3A_735 = vector.load %arg13[%get3A_733, %get3A_734] : memref<64x64xf32, #tpu.memory_space<vmem>>, vector<64x64xf32>
      %dot_general3A_736 = arith.constant dense<0.000000e+00> : vector<64x64xf32>
      %dot_general3A_737 = tpu.matmul %max3A_732, %get3A_735, %dot_general3A_736 {dimension_numbers = #tpu.dot_dimension_numbers<[1], [0], [0], [1], [0, 0, 1, 1], [], []>, transpose_lhs_hint = false} : vector<64x64xf32>, vector<64x64xf32>, vector<64x64xf32> -> vector<64x64xf32>
      %get3A_738 = arith.constant 0 : index
      %get3A_739 = arith.constant 0 : index
      %get3A_740 = vector.load %arg14[%get3A_738, %get3A_739] : memref<1x64xf32, #tpu.memory_space<vmem>>, vector<1x64xf32>
      %add3A_741 = vector.broadcast %get3A_740 : vector<1x64xf32> to vector<64x64xf32>
      %add3A_742 = arith.addf %dot_general3A_737, %add3A_741 : vector<64x64xf32>
      %max3A_743 = arith.constant 0.000000e+00 : f32
      %max3A_744 = vector.broadcast %max3A_743 : f32 to vector<64x64xf32>
      %max3A_745 = arith.maximumf %add3A_742, %max3A_744 : vector<64x64xf32>
      %get3A_746 = arith.constant 0 : index
      %get3A_747 = arith.constant 0 : index
      %get3A_748 = arith.constant 0 : index
      %get3A_749 = vector.load %arg10[%get3A_746, %get3A_747, %get3A_748] : memref<1x64x32xf32, #tpu.memory_space<vmem>>, vector<1x64x32xf32>
      %get3A_750 = vector.shape_cast %get3A_749 : vector<1x64x32xf32> to vector<64x32xf32>
      %get3A_751 = arith.constant 0 : index
      %get3A_752 = arith.constant 0 : index
      %get3A_753 = vector.load %arg15[%get3A_751, %get3A_752] : memref<32x64xf32, #tpu.memory_space<vmem>>, vector<32x64xf32>
      %dot_general3A_754 = arith.constant dense<0.000000e+00> : vector<64x64xf32>
      %dot_general3A_755 = tpu.matmul %get3A_750, %get3A_753, %dot_general3A_754 {dimension_numbers = #tpu.dot_dimension_numbers<[1], [0], [0], [1], [0, 0, 1, 1], [], []>, transpose_lhs_hint = false} : vector<64x32xf32>, vector<32x64xf32>, vector<64x64xf32> -> vector<64x64xf32>
      %get3A_756 = arith.constant 0 : index
      %get3A_757 = arith.constant 0 : index
      %get3A_758 = vector.load %arg16[%get3A_756, %get3A_757] : memref<1x64xf32, #tpu.memory_space<vmem>>, vector<1x64xf32>
      %add3A_759 = vector.broadcast %get3A_758 : vector<1x64xf32> to vector<64x64xf32>
      %add3A_760 = arith.addf %dot_general3A_755, %add3A_759 : vector<64x64xf32>
      %max3A_761 = arith.constant 0.000000e+00 : f32
      %max3A_762 = vector.broadcast %max3A_761 : f32 to vector<64x64xf32>
      %max3A_763 = arith.maximumf %add3A_760, %max3A_762 : vector<64x64xf32>
      %get3A_764 = arith.constant 0 : index
      %get3A_765 = arith.constant 0 : index
      %get3A_766 = vector.load %arg17[%get3A_764, %get3A_765] : memref<64x64xf32, #tpu.memory_space<vmem>>, vector<64x64xf32>
      %dot_general3A_767 = arith.constant dense<0.000000e+00> : vector<64x64xf32>
      %dot_general3A_768 = tpu.matmul %max3A_763, %get3A_766, %dot_general3A_767 {dimension_numbers = #tpu.dot_dimension_numbers<[1], [0], [0], [1], [0, 0, 1, 1], [], []>, transpose_lhs_hint = false} : vector<64x64xf32>, vector<64x64xf32>, vector<64x64xf32> -> vector<64x64xf32>
      %get3A_769 = arith.constant 0 : index
      %get3A_770 = arith.constant 0 : index
      %get3A_771 = vector.load %arg18[%get3A_769, %get3A_770] : memref<1x64xf32, #tpu.memory_space<vmem>>, vector<1x64xf32>
      %add3A_772 = vector.broadcast %get3A_771 : vector<1x64xf32> to vector<64x64xf32>
      %add3A_773 = arith.addf %dot_general3A_768, %add3A_772 : vector<64x64xf32>
      %max3A_774 = arith.constant 0.000000e+00 : f32
      %max3A_775 = vector.broadcast %max3A_774 : f32 to vector<64x64xf32>
      %max3A_776 = arith.maximumf %add3A_773, %max3A_775 : vector<64x64xf32>
      %swap3A_777 = arith.constant 0 : index
      %swap3A_778 = arith.constant 0 : index
      %swap3A_779 = vector.load %arg31[%swap3A_777, %swap3A_778] : memref<64x64xf32, #tpu.memory_space<vmem>>, vector<64x64xf32>
      tpu.vector_store %arg31[%swap3A_777, %swap3A_778], %max3A_776 {strides = array<i32>} : memref<64x64xf32, #tpu.memory_space<vmem>>, vector<64x64xf32>,
      %get3A_780 = arith.constant 0 : index
      %get3A_781 = arith.constant 0 : index
      %get3A_782 = arith.constant 0 : index
      %get3A_783 = vector.load %arg8[%get3A_780, %get3A_781, %get3A_782] : memref<1x64x1xf32, #tpu.memory_space<vmem>>, vector<1x64x1xf32>
      %get3A_784 = vector.shape_cast %get3A_783 : vector<1x64x1xf32> to vector<64x1xf32>
      %get3A_785 = arith.constant 0 : index
      %get3A_786 = arith.constant 0 : index
      %get3A_787 = vector.load %arg22[%get3A_785, %get3A_786] : memref<64x64xf32, #tpu.memory_space<vmem>>, vector<64x64xf32>
      %dot_general3A_788 = arith.constant dense<0.000000e+00> : vector<64x64xf32>
      %dot_general3A_789 = tpu.matmul %max3A_745, %get3A_787, %dot_general3A_788 {dimension_numbers = #tpu.dot_dimension_numbers<[1], [0], [0], [1], [0, 0, 1, 1], [], []>, transpose_lhs_hint = false} : vector<64x64xf32>, vector<64x64xf32>, vector<64x64xf32> -> vector<64x64xf32>
      %reshape3A_790 = vector.shape_cast %reshape3A_28 : vector<64x1xf32> to vector<1x64xf32>
      %mul3A_791 = arith.constant 1.000000e-03 : f32
      %mul3A_792 = vector.broadcast %mul3A_791 : f32 to vector<1x64xf32>
      %mul3A_793 = arith.mulf %reshape3A_790, %mul3A_792 : vector<1x64xf32>
      %mul3A_794 = vector.broadcast %get3A_784 : vector<64x1xf32> to vector<64x64xf32>
      %mul3A_795 = vector.broadcast %mul3A_793 : vector<1x64xf32> to vector<64x64xf32>
      %mul3A_796 = arith.mulf %mul3A_794, %mul3A_795 : vector<64x64xf32>
      %sub3A_797 = arith.subf %dot_general3A_789, %mul3A_796 : vector<64x64xf32>
      %swap3A_798 = arith.constant 0 : index
      %swap3A_799 = arith.constant 0 : index
      %swap3A_800 = vector.load %arg30[%swap3A_798, %swap3A_799] : memref<64x64xf32, #tpu.memory_space<vmem>>, vector<64x64xf32>
      tpu.vector_store %arg30[%swap3A_798, %swap3A_799], %sub3A_797 {strides = array<i32>} : memref<64x64xf32, #tpu.memory_space<vmem>>, vector<64x64xf32>,
    } else {
    }
    %swap3A_54 = arith.constant 0 : i32
    %swap3A_55 = arith.constant 0 : index
    %swap3A_56 = memref.load %arg33[%swap3A_55] : memref<64xi32, #tpu.memory_space<smem>>
    memref.store %swap3A_54, %arg33[%swap3A_55] : memref<64xi32, #tpu.memory_space<smem>>
    %get3A_57 = arith.constant 0 : index
    %get3A_58 = arith.constant 0 : index
    %get3A_59 = arith.constant 0 : index
    %get3A_60 = memref.load %arg4[%get3A_57, %get3A_58, %get3A_59] : memref<1x1x128xi32, #tpu.memory_space<smem>>
    %add3A_61 = arith.constant 0 : i32
    %add3A_62 = arith.addi %add3A_61, %get3A_60 : i32
    %swap3A_63 = arith.constant 1 : i32
    %swap3A_64 = arith.index_cast %add3A_62 : i32 to index
    %swap3A_65 = memref.load %arg33[%swap3A_64] : memref<64xi32, #tpu.memory_space<smem>>
    memref.store %swap3A_63, %arg33[%swap3A_64] : memref<64xi32, #tpu.memory_space<smem>>
    %get3A_66 = arith.constant 0 : index
    %get3A_67 = arith.constant 0 : index
    %get3A_68 = arith.constant 1 : index
    %get3A_69 = memref.load %arg4[%get3A_66, %get3A_67, %get3A_68] : memref<1x1x128xi32, #tpu.memory_space<smem>>
    %add3A_70 = arith.addi %add3A_62, %get3A_69 : i32
    %swap3A_71 = arith.constant 2 : i32
    %swap3A_72 = arith.index_cast %add3A_70 : i32 to index
    %swap3A_73 = memref.load %arg33[%swap3A_72] : memref<64xi32, #tpu.memory_space<smem>>
    memref.store %swap3A_71, %arg33[%swap3A_72] : memref<64xi32, #tpu.memory_space<smem>>
    %get3A_74 = arith.constant 0 : index
    %get3A_75 = arith.constant 0 : index
    %get3A_76 = arith.constant 2 : index
    %get3A_77 = memref.load %arg4[%get3A_74, %get3A_75, %get3A_76] : memref<1x1x128xi32, #tpu.memory_space<smem>>
    %add3A_78 = arith.addi %add3A_70, %get3A_77 : i32
    %swap3A_79 = arith.constant 3 : i32
    %swap3A_80 = arith.index_cast %add3A_78 : i32 to index
    %swap3A_81 = memref.load %arg33[%swap3A_80] : memref<64xi32, #tpu.memory_space<smem>>
    memref.store %swap3A_79, %arg33[%swap3A_80] : memref<64xi32, #tpu.memory_space<smem>>
    %get3A_82 = arith.constant 0 : index
    %get3A_83 = arith.constant 0 : index
    %get3A_84 = arith.constant 3 : index
    %get3A_85 = memref.load %arg4[%get3A_82, %get3A_83, %get3A_84] : memref<1x1x128xi32, #tpu.memory_space<smem>>
    %add3A_86 = arith.addi %add3A_78, %get3A_85 : i32
    %swap3A_87 = arith.constant 4 : i32
    %swap3A_88 = arith.index_cast %add3A_86 : i32 to index
    %swap3A_89 = memref.load %arg33[%swap3A_88] : memref<64xi32, #tpu.memory_space<smem>>
    memref.store %swap3A_87, %arg33[%swap3A_88] : memref<64xi32, #tpu.memory_space<smem>>
    %get3A_90 = arith.constant 0 : index
    %get3A_91 = arith.constant 0 : index
    %get3A_92 = arith.constant 4 : index
    %get3A_93 = memref.load %arg4[%get3A_90, %get3A_91, %get3A_92] : memref<1x1x128xi32, #tpu.memory_space<smem>>
    %add3A_94 = arith.addi %add3A_86, %get3A_93 : i32
    %swap3A_95 = arith.constant 5 : i32
    %swap3A_96 = arith.index_cast %add3A_94 : i32 to index
    %swap3A_97 = memref.load %arg33[%swap3A_96] : memref<64xi32, #tpu.memory_space<smem>>
    memref.store %swap3A_95, %arg33[%swap3A_96] : memref<64xi32, #tpu.memory_space<smem>>
    %get3A_98 = arith.constant 0 : index
    %get3A_99 = arith.constant 0 : index
    %get3A_100 = arith.constant 5 : index
    %get3A_101 = memref.load %arg4[%get3A_98, %get3A_99, %get3A_100] : memref<1x1x128xi32, #tpu.memory_space<smem>>
    %add3A_102 = arith.addi %add3A_94, %get3A_101 : i32
    %swap3A_103 = arith.constant 6 : i32
    %swap3A_104 = arith.index_cast %add3A_102 : i32 to index
    %swap3A_105 = memref.load %arg33[%swap3A_104] : memref<64xi32, #tpu.memory_space<smem>>
    memref.store %swap3A_103, %arg33[%swap3A_104] : memref<64xi32, #tpu.memory_space<smem>>
    %get3A_106 = arith.constant 0 : index
    %get3A_107 = arith.constant 0 : index
    %get3A_108 = arith.constant 6 : index
    %get3A_109 = memref.load %arg4[%get3A_106, %get3A_107, %get3A_108] : memref<1x1x128xi32, #tpu.memory_space<smem>>
    %add3A_110 = arith.addi %add3A_102, %get3A_109 : i32
    %swap3A_111 = arith.constant 7 : i32
    %swap3A_112 = arith.index_cast %add3A_110 : i32 to index
    %swap3A_113 = memref.load %arg33[%swap3A_112] : memref<64xi32, #tpu.memory_space<smem>>
    memref.store %swap3A_111, %arg33[%swap3A_112] : memref<64xi32, #tpu.memory_space<smem>>
    %get3A_114 = arith.constant 0 : index
    %get3A_115 = arith.constant 0 : index
    %get3A_116 = arith.constant 7 : index
    %get3A_117 = memref.load %arg4[%get3A_114, %get3A_115, %get3A_116] : memref<1x1x128xi32, #tpu.memory_space<smem>>
    %add3A_118 = arith.addi %add3A_110, %get3A_117 : i32
    %swap3A_119 = arith.constant 8 : i32
    %swap3A_120 = arith.index_cast %add3A_118 : i32 to index
    %swap3A_121 = memref.load %arg33[%swap3A_120] : memref<64xi32, #tpu.memory_space<smem>>
    memref.store %swap3A_119, %arg33[%swap3A_120] : memref<64xi32, #tpu.memory_space<smem>>
    %get3A_122 = arith.constant 0 : index
    %get3A_123 = arith.constant 0 : index
    %get3A_124 = arith.constant 8 : index
    %get3A_125 = memref.load %arg4[%get3A_122, %get3A_123, %get3A_124] : memref<1x1x128xi32, #tpu.memory_space<smem>>
    %add3A_126 = arith.addi %add3A_118, %get3A_125 : i32
    %swap3A_127 = arith.constant 9 : i32
    %swap3A_128 = arith.index_cast %add3A_126 : i32 to index
    %swap3A_129 = memref.load %arg33[%swap3A_128] : memref<64xi32, #tpu.memory_space<smem>>
    memref.store %swap3A_127, %arg33[%swap3A_128] : memref<64xi32, #tpu.memory_space<smem>>
    %get3A_130 = arith.constant 0 : index
    %get3A_131 = arith.constant 0 : index
    %get3A_132 = arith.constant 9 : index
    %get3A_133 = memref.load %arg4[%get3A_130, %get3A_131, %get3A_132] : memref<1x1x128xi32, #tpu.memory_space<smem>>
    %add3A_134 = arith.addi %add3A_126, %get3A_133 : i32
    %swap3A_135 = arith.constant 10 : i32
    %swap3A_136 = arith.index_cast %add3A_134 : i32 to index
    %swap3A_137 = memref.load %arg33[%swap3A_136] : memref<64xi32, #tpu.memory_space<smem>>
    memref.store %swap3A_135, %arg33[%swap3A_136] : memref<64xi32, #tpu.memory_space<smem>>
    %get3A_138 = arith.constant 0 : index
    %get3A_139 = arith.constant 0 : index
    %get3A_140 = arith.constant 10 : index
    %get3A_141 = memref.load %arg4[%get3A_138, %get3A_139, %get3A_140] : memref<1x1x128xi32, #tpu.memory_space<smem>>
    %add3A_142 = arith.addi %add3A_134, %get3A_141 : i32
    %swap3A_143 = arith.constant 11 : i32
    %swap3A_144 = arith.index_cast %add3A_142 : i32 to index
    %swap3A_145 = memref.load %arg33[%swap3A_144] : memref<64xi32, #tpu.memory_space<smem>>
    memref.store %swap3A_143, %arg33[%swap3A_144] : memref<64xi32, #tpu.memory_space<smem>>
    %get3A_146 = arith.constant 0 : index
    %get3A_147 = arith.constant 0 : index
    %get3A_148 = arith.constant 11 : index
    %get3A_149 = memref.load %arg4[%get3A_146, %get3A_147, %get3A_148] : memref<1x1x128xi32, #tpu.memory_space<smem>>
    %add3A_150 = arith.addi %add3A_142, %get3A_149 : i32
    %swap3A_151 = arith.constant 12 : i32
    %swap3A_152 = arith.index_cast %add3A_150 : i32 to index
    %swap3A_153 = memref.load %arg33[%swap3A_152] : memref<64xi32, #tpu.memory_space<smem>>
    memref.store %swap3A_151, %arg33[%swap3A_152] : memref<64xi32, #tpu.memory_space<smem>>
    %get3A_154 = arith.constant 0 : index
    %get3A_155 = arith.constant 0 : index
    %get3A_156 = arith.constant 12 : index
    %get3A_157 = memref.load %arg4[%get3A_154, %get3A_155, %get3A_156] : memref<1x1x128xi32, #tpu.memory_space<smem>>
    %add3A_158 = arith.addi %add3A_150, %get3A_157 : i32
    %swap3A_159 = arith.constant 13 : i32
    %swap3A_160 = arith.index_cast %add3A_158 : i32 to index
    %swap3A_161 = memref.load %arg33[%swap3A_160] : memref<64xi32, #tpu.memory_space<smem>>
    memref.store %swap3A_159, %arg33[%swap3A_160] : memref<64xi32, #tpu.memory_space<smem>>
    %get3A_162 = arith.constant 0 : index
    %get3A_163 = arith.constant 0 : index
    %get3A_164 = arith.constant 13 : index
    %get3A_165 = memref.load %arg4[%get3A_162, %get3A_163, %get3A_164] : memref<1x1x128xi32, #tpu.memory_space<smem>>
    %add3A_166 = arith.addi %add3A_158, %get3A_165 : i32
    %swap3A_167 = arith.constant 14 : i32
    %swap3A_168 = arith.index_cast %add3A_166 : i32 to index
    %swap3A_169 = memref.load %arg33[%swap3A_168] : memref<64xi32, #tpu.memory_space<smem>>
    memref.store %swap3A_167, %arg33[%swap3A_168] : memref<64xi32, #tpu.memory_space<smem>>
    %get3A_170 = arith.constant 0 : index
    %get3A_171 = arith.constant 0 : index
    %get3A_172 = arith.constant 14 : index
    %get3A_173 = memref.load %arg4[%get3A_170, %get3A_171, %get3A_172] : memref<1x1x128xi32, #tpu.memory_space<smem>>
    %add3A_174 = arith.addi %add3A_166, %get3A_173 : i32
    %swap3A_175 = arith.constant 15 : i32
    %swap3A_176 = arith.index_cast %add3A_174 : i32 to index
    %swap3A_177 = memref.load %arg33[%swap3A_176] : memref<64xi32, #tpu.memory_space<smem>>
    memref.store %swap3A_175, %arg33[%swap3A_176] : memref<64xi32, #tpu.memory_space<smem>>
    %get3A_178 = arith.constant 0 : index
    %get3A_179 = arith.constant 0 : index
    %get3A_180 = arith.constant 15 : index
    %get3A_181 = memref.load %arg4[%get3A_178, %get3A_179, %get3A_180] : memref<1x1x128xi32, #tpu.memory_space<smem>>
    %add3A_182 = arith.addi %add3A_174, %get3A_181 : i32
    %swap3A_183 = arith.constant 16 : i32
    %swap3A_184 = arith.index_cast %add3A_182 : i32 to index
    %swap3A_185 = memref.load %arg33[%swap3A_184] : memref<64xi32, #tpu.memory_space<smem>>
    memref.store %swap3A_183, %arg33[%swap3A_184] : memref<64xi32, #tpu.memory_space<smem>>
    %get3A_186 = arith.constant 0 : index
    %get3A_187 = arith.constant 0 : index
    %get3A_188 = arith.constant 16 : index
    %get3A_189 = memref.load %arg4[%get3A_186, %get3A_187, %get3A_188] : memref<1x1x128xi32, #tpu.memory_space<smem>>
    %add3A_190 = arith.addi %add3A_182, %get3A_189 : i32
    %swap3A_191 = arith.constant 17 : i32
    %swap3A_192 = arith.index_cast %add3A_190 : i32 to index
    %swap3A_193 = memref.load %arg33[%swap3A_192] : memref<64xi32, #tpu.memory_space<smem>>
    memref.store %swap3A_191, %arg33[%swap3A_192] : memref<64xi32, #tpu.memory_space<smem>>
    %get3A_194 = arith.constant 0 : index
    %get3A_195 = arith.constant 0 : index
    %get3A_196 = arith.constant 17 : index
    %get3A_197 = memref.load %arg4[%get3A_194, %get3A_195, %get3A_196] : memref<1x1x128xi32, #tpu.memory_space<smem>>
    %add3A_198 = arith.addi %add3A_190, %get3A_197 : i32
    %swap3A_199 = arith.constant 18 : i32
    %swap3A_200 = arith.index_cast %add3A_198 : i32 to index
    %swap3A_201 = memref.load %arg33[%swap3A_200] : memref<64xi32, #tpu.memory_space<smem>>
    memref.store %swap3A_199, %arg33[%swap3A_200] : memref<64xi32, #tpu.memory_space<smem>>
    %get3A_202 = arith.constant 0 : index
    %get3A_203 = arith.constant 0 : index
    %get3A_204 = arith.constant 18 : index
    %get3A_205 = memref.load %arg4[%get3A_202, %get3A_203, %get3A_204] : memref<1x1x128xi32, #tpu.memory_space<smem>>
    %add3A_206 = arith.addi %add3A_198, %get3A_205 : i32
    %swap3A_207 = arith.constant 19 : i32
    %swap3A_208 = arith.index_cast %add3A_206 : i32 to index
    %swap3A_209 = memref.load %arg33[%swap3A_208] : memref<64xi32, #tpu.memory_space<smem>>
    memref.store %swap3A_207, %arg33[%swap3A_208] : memref<64xi32, #tpu.memory_space<smem>>
    %get3A_210 = arith.constant 0 : index
    %get3A_211 = arith.constant 0 : index
    %get3A_212 = arith.constant 19 : index
    %get3A_213 = memref.load %arg4[%get3A_210, %get3A_211, %get3A_212] : memref<1x1x128xi32, #tpu.memory_space<smem>>
    %add3A_214 = arith.addi %add3A_206, %get3A_213 : i32
    %swap3A_215 = arith.constant 20 : i32
    %swap3A_216 = arith.index_cast %add3A_214 : i32 to index
    %swap3A_217 = memref.load %arg33[%swap3A_216] : memref<64xi32, #tpu.memory_space<smem>>
    memref.store %swap3A_215, %arg33[%swap3A_216] : memref<64xi32, #tpu.memory_space<smem>>
    %get3A_218 = arith.constant 0 : index
    %get3A_219 = arith.constant 0 : index
    %get3A_220 = arith.constant 20 : index
    %get3A_221 = memref.load %arg4[%get3A_218, %get3A_219, %get3A_220] : memref<1x1x128xi32, #tpu.memory_space<smem>>
    %add3A_222 = arith.addi %add3A_214, %get3A_221 : i32
    %swap3A_223 = arith.constant 21 : i32
    %swap3A_224 = arith.index_cast %add3A_222 : i32 to index
    %swap3A_225 = memref.load %arg33[%swap3A_224] : memref<64xi32, #tpu.memory_space<smem>>
    memref.store %swap3A_223, %arg33[%swap3A_224] : memref<64xi32, #tpu.memory_space<smem>>
    %get3A_226 = arith.constant 0 : index
    %get3A_227 = arith.constant 0 : index
    %get3A_228 = arith.constant 21 : index
    %get3A_229 = memref.load %arg4[%get3A_226, %get3A_227, %get3A_228] : memref<1x1x128xi32, #tpu.memory_space<smem>>
    %add3A_230 = arith.addi %add3A_222, %get3A_229 : i32
    %swap3A_231 = arith.constant 22 : i32
    %swap3A_232 = arith.index_cast %add3A_230 : i32 to index
    %swap3A_233 = memref.load %arg33[%swap3A_232] : memref<64xi32, #tpu.memory_space<smem>>
    memref.store %swap3A_231, %arg33[%swap3A_232] : memref<64xi32, #tpu.memory_space<smem>>
    %get3A_234 = arith.constant 0 : index
    %get3A_235 = arith.constant 0 : index
    %get3A_236 = arith.constant 22 : index
    %get3A_237 = memref.load %arg4[%get3A_234, %get3A_235, %get3A_236] : memref<1x1x128xi32, #tpu.memory_space<smem>>
    %add3A_238 = arith.addi %add3A_230, %get3A_237 : i32
    %swap3A_239 = arith.constant 23 : i32
    %swap3A_240 = arith.index_cast %add3A_238 : i32 to index
    %swap3A_241 = memref.load %arg33[%swap3A_240] : memref<64xi32, #tpu.memory_space<smem>>
    memref.store %swap3A_239, %arg33[%swap3A_240] : memref<64xi32, #tpu.memory_space<smem>>
    %get3A_242 = arith.constant 0 : index
    %get3A_243 = arith.constant 0 : index
    %get3A_244 = arith.constant 23 : index
    %get3A_245 = memref.load %arg4[%get3A_242, %get3A_243, %get3A_244] : memref<1x1x128xi32, #tpu.memory_space<smem>>
    %add3A_246 = arith.addi %add3A_238, %get3A_245 : i32
    %swap3A_247 = arith.constant 24 : i32
    %swap3A_248 = arith.index_cast %add3A_246 : i32 to index
    %swap3A_249 = memref.load %arg33[%swap3A_248] : memref<64xi32, #tpu.memory_space<smem>>
    memref.store %swap3A_247, %arg33[%swap3A_248] : memref<64xi32, #tpu.memory_space<smem>>
    %get3A_250 = arith.constant 0 : index
    %get3A_251 = arith.constant 0 : index
    %get3A_252 = arith.constant 24 : index
    %get3A_253 = memref.load %arg4[%get3A_250, %get3A_251, %get3A_252] : memref<1x1x128xi32, #tpu.memory_space<smem>>
    %add3A_254 = arith.addi %add3A_246, %get3A_253 : i32
    %swap3A_255 = arith.constant 25 : i32
    %swap3A_256 = arith.index_cast %add3A_254 : i32 to index
    %swap3A_257 = memref.load %arg33[%swap3A_256] : memref<64xi32, #tpu.memory_space<smem>>
    memref.store %swap3A_255, %arg33[%swap3A_256] : memref<64xi32, #tpu.memory_space<smem>>
    %get3A_258 = arith.constant 0 : index
    %get3A_259 = arith.constant 0 : index
    %get3A_260 = arith.constant 25 : index
    %get3A_261 = memref.load %arg4[%get3A_258, %get3A_259, %get3A_260] : memref<1x1x128xi32, #tpu.memory_space<smem>>
    %add3A_262 = arith.addi %add3A_254, %get3A_261 : i32
    %swap3A_263 = arith.constant 26 : i32
    %swap3A_264 = arith.index_cast %add3A_262 : i32 to index
    %swap3A_265 = memref.load %arg33[%swap3A_264] : memref<64xi32, #tpu.memory_space<smem>>
    memref.store %swap3A_263, %arg33[%swap3A_264] : memref<64xi32, #tpu.memory_space<smem>>
    %get3A_266 = arith.constant 0 : index
    %get3A_267 = arith.constant 0 : index
    %get3A_268 = arith.constant 26 : index
    %get3A_269 = memref.load %arg4[%get3A_266, %get3A_267, %get3A_268] : memref<1x1x128xi32, #tpu.memory_space<smem>>
    %add3A_270 = arith.addi %add3A_262, %get3A_269 : i32
    %swap3A_271 = arith.constant 27 : i32
    %swap3A_272 = arith.index_cast %add3A_270 : i32 to index
    %swap3A_273 = memref.load %arg33[%swap3A_272] : memref<64xi32, #tpu.memory_space<smem>>
    memref.store %swap3A_271, %arg33[%swap3A_272] : memref<64xi32, #tpu.memory_space<smem>>
    %get3A_274 = arith.constant 0 : index
    %get3A_275 = arith.constant 0 : index
    %get3A_276 = arith.constant 27 : index
    %get3A_277 = memref.load %arg4[%get3A_274, %get3A_275, %get3A_276] : memref<1x1x128xi32, #tpu.memory_space<smem>>
    %add3A_278 = arith.addi %add3A_270, %get3A_277 : i32
    %swap3A_279 = arith.constant 28 : i32
    %swap3A_280 = arith.index_cast %add3A_278 : i32 to index
    %swap3A_281 = memref.load %arg33[%swap3A_280] : memref<64xi32, #tpu.memory_space<smem>>
    memref.store %swap3A_279, %arg33[%swap3A_280] : memref<64xi32, #tpu.memory_space<smem>>
    %get3A_282 = arith.constant 0 : index
    %get3A_283 = arith.constant 0 : index
    %get3A_284 = arith.constant 28 : index
    %get3A_285 = memref.load %arg4[%get3A_282, %get3A_283, %get3A_284] : memref<1x1x128xi32, #tpu.memory_space<smem>>
    %add3A_286 = arith.addi %add3A_278, %get3A_285 : i32
    %swap3A_287 = arith.constant 29 : i32
    %swap3A_288 = arith.index_cast %add3A_286 : i32 to index
    %swap3A_289 = memref.load %arg33[%swap3A_288] : memref<64xi32, #tpu.memory_space<smem>>
    memref.store %swap3A_287, %arg33[%swap3A_288] : memref<64xi32, #tpu.memory_space<smem>>
    %get3A_290 = arith.constant 0 : index
    %get3A_291 = arith.constant 0 : index
    %get3A_292 = arith.constant 29 : index
    %get3A_293 = memref.load %arg4[%get3A_290, %get3A_291, %get3A_292] : memref<1x1x128xi32, #tpu.memory_space<smem>>
    %add3A_294 = arith.addi %add3A_286, %get3A_293 : i32
    %swap3A_295 = arith.constant 30 : i32
    %swap3A_296 = arith.index_cast %add3A_294 : i32 to index
    %swap3A_297 = memref.load %arg33[%swap3A_296] : memref<64xi32, #tpu.memory_space<smem>>
    memref.store %swap3A_295, %arg33[%swap3A_296] : memref<64xi32, #tpu.memory_space<smem>>
    %get3A_298 = arith.constant 0 : index
    %get3A_299 = arith.constant 0 : index
    %get3A_300 = arith.constant 30 : index
    %get3A_301 = memref.load %arg4[%get3A_298, %get3A_299, %get3A_300] : memref<1x1x128xi32, #tpu.memory_space<smem>>
    %add3A_302 = arith.addi %add3A_294, %get3A_301 : i32
    %swap3A_303 = arith.constant 31 : i32
    %swap3A_304 = arith.index_cast %add3A_302 : i32 to index
    %swap3A_305 = memref.load %arg33[%swap3A_304] : memref<64xi32, #tpu.memory_space<smem>>
    memref.store %swap3A_303, %arg33[%swap3A_304] : memref<64xi32, #tpu.memory_space<smem>>
    %get3A_306 = arith.constant 0 : index
    %get3A_307 = arith.constant 0 : index
    %get3A_308 = arith.constant 31 : index
    %get3A_309 = memref.load %arg4[%get3A_306, %get3A_307, %get3A_308] : memref<1x1x128xi32, #tpu.memory_space<smem>>
    %add3A_310 = arith.addi %add3A_302, %get3A_309 : i32
    %swap3A_311 = arith.constant 32 : i32
    %swap3A_312 = arith.index_cast %add3A_310 : i32 to index
    %swap3A_313 = memref.load %arg33[%swap3A_312] : memref<64xi32, #tpu.memory_space<smem>>
    memref.store %swap3A_311, %arg33[%swap3A_312] : memref<64xi32, #tpu.memory_space<smem>>
    %get3A_314 = arith.constant 0 : index
    %get3A_315 = arith.constant 0 : index
    %get3A_316 = arith.constant 32 : index
    %get3A_317 = memref.load %arg4[%get3A_314, %get3A_315, %get3A_316] : memref<1x1x128xi32, #tpu.memory_space<smem>>
    %add3A_318 = arith.addi %add3A_310, %get3A_317 : i32
    %swap3A_319 = arith.constant 33 : i32
    %swap3A_320 = arith.index_cast %add3A_318 : i32 to index
    %swap3A_321 = memref.load %arg33[%swap3A_320] : memref<64xi32, #tpu.memory_space<smem>>
    memref.store %swap3A_319, %arg33[%swap3A_320] : memref<64xi32, #tpu.memory_space<smem>>
    %get3A_322 = arith.constant 0 : index
    %get3A_323 = arith.constant 0 : index
    %get3A_324 = arith.constant 33 : index
    %get3A_325 = memref.load %arg4[%get3A_322, %get3A_323, %get3A_324] : memref<1x1x128xi32, #tpu.memory_space<smem>>
    %add3A_326 = arith.addi %add3A_318, %get3A_325 : i32
    %swap3A_327 = arith.constant 34 : i32
    %swap3A_328 = arith.index_cast %add3A_326 : i32 to index
    %swap3A_329 = memref.load %arg33[%swap3A_328] : memref<64xi32, #tpu.memory_space<smem>>
    memref.store %swap3A_327, %arg33[%swap3A_328] : memref<64xi32, #tpu.memory_space<smem>>
    %get3A_330 = arith.constant 0 : index
    %get3A_331 = arith.constant 0 : index
    %get3A_332 = arith.constant 34 : index
    %get3A_333 = memref.load %arg4[%get3A_330, %get3A_331, %get3A_332] : memref<1x1x128xi32, #tpu.memory_space<smem>>
    %add3A_334 = arith.addi %add3A_326, %get3A_333 : i32
    %swap3A_335 = arith.constant 35 : i32
    %swap3A_336 = arith.index_cast %add3A_334 : i32 to index
    %swap3A_337 = memref.load %arg33[%swap3A_336] : memref<64xi32, #tpu.memory_space<smem>>
    memref.store %swap3A_335, %arg33[%swap3A_336] : memref<64xi32, #tpu.memory_space<smem>>
    %get3A_338 = arith.constant 0 : index
    %get3A_339 = arith.constant 0 : index
    %get3A_340 = arith.constant 35 : index
    %get3A_341 = memref.load %arg4[%get3A_338, %get3A_339, %get3A_340] : memref<1x1x128xi32, #tpu.memory_space<smem>>
    %add3A_342 = arith.addi %add3A_334, %get3A_341 : i32
    %swap3A_343 = arith.constant 36 : i32
    %swap3A_344 = arith.index_cast %add3A_342 : i32 to index
    %swap3A_345 = memref.load %arg33[%swap3A_344] : memref<64xi32, #tpu.memory_space<smem>>
    memref.store %swap3A_343, %arg33[%swap3A_344] : memref<64xi32, #tpu.memory_space<smem>>
    %get3A_346 = arith.constant 0 : index
    %get3A_347 = arith.constant 0 : index
    %get3A_348 = arith.constant 36 : index
    %get3A_349 = memref.load %arg4[%get3A_346, %get3A_347, %get3A_348] : memref<1x1x128xi32, #tpu.memory_space<smem>>
    %add3A_350 = arith.addi %add3A_342, %get3A_349 : i32
    %swap3A_351 = arith.constant 37 : i32
    %swap3A_352 = arith.index_cast %add3A_350 : i32 to index
    %swap3A_353 = memref.load %arg33[%swap3A_352] : memref<64xi32, #tpu.memory_space<smem>>
    memref.store %swap3A_351, %arg33[%swap3A_352] : memref<64xi32, #tpu.memory_space<smem>>
    %get3A_354 = arith.constant 0 : index
    %get3A_355 = arith.constant 0 : index
    %get3A_356 = arith.constant 37 : index
    %get3A_357 = memref.load %arg4[%get3A_354, %get3A_355, %get3A_356] : memref<1x1x128xi32, #tpu.memory_space<smem>>
    %add3A_358 = arith.addi %add3A_350, %get3A_357 : i32
    %swap3A_359 = arith.constant 38 : i32
    %swap3A_360 = arith.index_cast %add3A_358 : i32 to index
    %swap3A_361 = memref.load %arg33[%swap3A_360] : memref<64xi32, #tpu.memory_space<smem>>
    memref.store %swap3A_359, %arg33[%swap3A_360] : memref<64xi32, #tpu.memory_space<smem>>
    %get3A_362 = arith.constant 0 : index
    %get3A_363 = arith.constant 0 : index
    %get3A_364 = arith.constant 38 : index
    %get3A_365 = memref.load %arg4[%get3A_362, %get3A_363, %get3A_364] : memref<1x1x128xi32, #tpu.memory_space<smem>>
    %add3A_366 = arith.addi %add3A_358, %get3A_365 : i32
    %swap3A_367 = arith.constant 39 : i32
    %swap3A_368 = arith.index_cast %add3A_366 : i32 to index
    %swap3A_369 = memref.load %arg33[%swap3A_368] : memref<64xi32, #tpu.memory_space<smem>>
    memref.store %swap3A_367, %arg33[%swap3A_368] : memref<64xi32, #tpu.memory_space<smem>>
    %get3A_370 = arith.constant 0 : index
    %get3A_371 = arith.constant 0 : index
    %get3A_372 = arith.constant 39 : index
    %get3A_373 = memref.load %arg4[%get3A_370, %get3A_371, %get3A_372] : memref<1x1x128xi32, #tpu.memory_space<smem>>
    %add3A_374 = arith.addi %add3A_366, %get3A_373 : i32
    %swap3A_375 = arith.constant 40 : i32
    %swap3A_376 = arith.index_cast %add3A_374 : i32 to index
    %swap3A_377 = memref.load %arg33[%swap3A_376] : memref<64xi32, #tpu.memory_space<smem>>
    memref.store %swap3A_375, %arg33[%swap3A_376] : memref<64xi32, #tpu.memory_space<smem>>
    %get3A_378 = arith.constant 0 : index
    %get3A_379 = arith.constant 0 : index
    %get3A_380 = arith.constant 40 : index
    %get3A_381 = memref.load %arg4[%get3A_378, %get3A_379, %get3A_380] : memref<1x1x128xi32, #tpu.memory_space<smem>>
    %add3A_382 = arith.addi %add3A_374, %get3A_381 : i32
    %swap3A_383 = arith.constant 41 : i32
    %swap3A_384 = arith.index_cast %add3A_382 : i32 to index
    %swap3A_385 = memref.load %arg33[%swap3A_384] : memref<64xi32, #tpu.memory_space<smem>>
    memref.store %swap3A_383, %arg33[%swap3A_384] : memref<64xi32, #tpu.memory_space<smem>>
    %get3A_386 = arith.constant 0 : index
    %get3A_387 = arith.constant 0 : index
    %get3A_388 = arith.constant 41 : index
    %get3A_389 = memref.load %arg4[%get3A_386, %get3A_387, %get3A_388] : memref<1x1x128xi32, #tpu.memory_space<smem>>
    %add3A_390 = arith.addi %add3A_382, %get3A_389 : i32
    %swap3A_391 = arith.constant 42 : i32
    %swap3A_392 = arith.index_cast %add3A_390 : i32 to index
    %swap3A_393 = memref.load %arg33[%swap3A_392] : memref<64xi32, #tpu.memory_space<smem>>
    memref.store %swap3A_391, %arg33[%swap3A_392] : memref<64xi32, #tpu.memory_space<smem>>
    %get3A_394 = arith.constant 0 : index
    %get3A_395 = arith.constant 0 : index
    %get3A_396 = arith.constant 42 : index
    %get3A_397 = memref.load %arg4[%get3A_394, %get3A_395, %get3A_396] : memref<1x1x128xi32, #tpu.memory_space<smem>>
    %add3A_398 = arith.addi %add3A_390, %get3A_397 : i32
    %swap3A_399 = arith.constant 43 : i32
    %swap3A_400 = arith.index_cast %add3A_398 : i32 to index
    %swap3A_401 = memref.load %arg33[%swap3A_400] : memref<64xi32, #tpu.memory_space<smem>>
    memref.store %swap3A_399, %arg33[%swap3A_400] : memref<64xi32, #tpu.memory_space<smem>>
    %get3A_402 = arith.constant 0 : index
    %get3A_403 = arith.constant 0 : index
    %get3A_404 = arith.constant 43 : index
    %get3A_405 = memref.load %arg4[%get3A_402, %get3A_403, %get3A_404] : memref<1x1x128xi32, #tpu.memory_space<smem>>
    %add3A_406 = arith.addi %add3A_398, %get3A_405 : i32
    %swap3A_407 = arith.constant 44 : i32
    %swap3A_408 = arith.index_cast %add3A_406 : i32 to index
    %swap3A_409 = memref.load %arg33[%swap3A_408] : memref<64xi32, #tpu.memory_space<smem>>
    memref.store %swap3A_407, %arg33[%swap3A_408] : memref<64xi32, #tpu.memory_space<smem>>
    %get3A_410 = arith.constant 0 : index
    %get3A_411 = arith.constant 0 : index
    %get3A_412 = arith.constant 44 : index
    %get3A_413 = memref.load %arg4[%get3A_410, %get3A_411, %get3A_412] : memref<1x1x128xi32, #tpu.memory_space<smem>>
    %add3A_414 = arith.addi %add3A_406, %get3A_413 : i32
    %swap3A_415 = arith.constant 45 : i32
    %swap3A_416 = arith.index_cast %add3A_414 : i32 to index
    %swap3A_417 = memref.load %arg33[%swap3A_416] : memref<64xi32, #tpu.memory_space<smem>>
    memref.store %swap3A_415, %arg33[%swap3A_416] : memref<64xi32, #tpu.memory_space<smem>>
    %get3A_418 = arith.constant 0 : index
    %get3A_419 = arith.constant 0 : index
    %get3A_420 = arith.constant 45 : index
    %get3A_421 = memref.load %arg4[%get3A_418, %get3A_419, %get3A_420] : memref<1x1x128xi32, #tpu.memory_space<smem>>
    %add3A_422 = arith.addi %add3A_414, %get3A_421 : i32
    %swap3A_423 = arith.constant 46 : i32
    %swap3A_424 = arith.index_cast %add3A_422 : i32 to index
    %swap3A_425 = memref.load %arg33[%swap3A_424] : memref<64xi32, #tpu.memory_space<smem>>
    memref.store %swap3A_423, %arg33[%swap3A_424] : memref<64xi32, #tpu.memory_space<smem>>
    %get3A_426 = arith.constant 0 : index
    %get3A_427 = arith.constant 0 : index
    %get3A_428 = arith.constant 46 : index
    %get3A_429 = memref.load %arg4[%get3A_426, %get3A_427, %get3A_428] : memref<1x1x128xi32, #tpu.memory_space<smem>>
    %add3A_430 = arith.addi %add3A_422, %get3A_429 : i32
    %swap3A_431 = arith.constant 47 : i32
    %swap3A_432 = arith.index_cast %add3A_430 : i32 to index
    %swap3A_433 = memref.load %arg33[%swap3A_432] : memref<64xi32, #tpu.memory_space<smem>>
    memref.store %swap3A_431, %arg33[%swap3A_432] : memref<64xi32, #tpu.memory_space<smem>>
    %get3A_434 = arith.constant 0 : index
    %get3A_435 = arith.constant 0 : index
    %get3A_436 = arith.constant 47 : index
    %get3A_437 = memref.load %arg4[%get3A_434, %get3A_435, %get3A_436] : memref<1x1x128xi32, #tpu.memory_space<smem>>
    %add3A_438 = arith.addi %add3A_430, %get3A_437 : i32
    %swap3A_439 = arith.constant 48 : i32
    %swap3A_440 = arith.index_cast %add3A_438 : i32 to index
    %swap3A_441 = memref.load %arg33[%swap3A_440] : memref<64xi32, #tpu.memory_space<smem>>
    memref.store %swap3A_439, %arg33[%swap3A_440] : memref<64xi32, #tpu.memory_space<smem>>
    %get3A_442 = arith.constant 0 : index
    %get3A_443 = arith.constant 0 : index
    %get3A_444 = arith.constant 48 : index
    %get3A_445 = memref.load %arg4[%get3A_442, %get3A_443, %get3A_444] : memref<1x1x128xi32, #tpu.memory_space<smem>>
    %add3A_446 = arith.addi %add3A_438, %get3A_445 : i32
    %swap3A_447 = arith.constant 49 : i32
    %swap3A_448 = arith.index_cast %add3A_446 : i32 to index
    %swap3A_449 = memref.load %arg33[%swap3A_448] : memref<64xi32, #tpu.memory_space<smem>>
    memref.store %swap3A_447, %arg33[%swap3A_448] : memref<64xi32, #tpu.memory_space<smem>>
    %get3A_450 = arith.constant 0 : index
    %get3A_451 = arith.constant 0 : index
    %get3A_452 = arith.constant 49 : index
    %get3A_453 = memref.load %arg4[%get3A_450, %get3A_451, %get3A_452] : memref<1x1x128xi32, #tpu.memory_space<smem>>
    %add3A_454 = arith.addi %add3A_446, %get3A_453 : i32
    %swap3A_455 = arith.constant 50 : i32
    %swap3A_456 = arith.index_cast %add3A_454 : i32 to index
    %swap3A_457 = memref.load %arg33[%swap3A_456] : memref<64xi32, #tpu.memory_space<smem>>
    memref.store %swap3A_455, %arg33[%swap3A_456] : memref<64xi32, #tpu.memory_space<smem>>
    %get3A_458 = arith.constant 0 : index
    %get3A_459 = arith.constant 0 : index
    %get3A_460 = arith.constant 50 : index
    %get3A_461 = memref.load %arg4[%get3A_458, %get3A_459, %get3A_460] : memref<1x1x128xi32, #tpu.memory_space<smem>>
    %add3A_462 = arith.addi %add3A_454, %get3A_461 : i32
    %swap3A_463 = arith.constant 51 : i32
    %swap3A_464 = arith.index_cast %add3A_462 : i32 to index
    %swap3A_465 = memref.load %arg33[%swap3A_464] : memref<64xi32, #tpu.memory_space<smem>>
    memref.store %swap3A_463, %arg33[%swap3A_464] : memref<64xi32, #tpu.memory_space<smem>>
    %get3A_466 = arith.constant 0 : index
    %get3A_467 = arith.constant 0 : index
    %get3A_468 = arith.constant 51 : index
    %get3A_469 = memref.load %arg4[%get3A_466, %get3A_467, %get3A_468] : memref<1x1x128xi32, #tpu.memory_space<smem>>
    %add3A_470 = arith.addi %add3A_462, %get3A_469 : i32
    %swap3A_471 = arith.constant 52 : i32
    %swap3A_472 = arith.index_cast %add3A_470 : i32 to index
    %swap3A_473 = memref.load %arg33[%swap3A_472] : memref<64xi32, #tpu.memory_space<smem>>
    memref.store %swap3A_471, %arg33[%swap3A_472] : memref<64xi32, #tpu.memory_space<smem>>
    %get3A_474 = arith.constant 0 : index
    %get3A_475 = arith.constant 0 : index
    %get3A_476 = arith.constant 52 : index
    %get3A_477 = memref.load %arg4[%get3A_474, %get3A_475, %get3A_476] : memref<1x1x128xi32, #tpu.memory_space<smem>>
    %add3A_478 = arith.addi %add3A_470, %get3A_477 : i32
    %swap3A_479 = arith.constant 53 : i32
    %swap3A_480 = arith.index_cast %add3A_478 : i32 to index
    %swap3A_481 = memref.load %arg33[%swap3A_480] : memref<64xi32, #tpu.memory_space<smem>>
    memref.store %swap3A_479, %arg33[%swap3A_480] : memref<64xi32, #tpu.memory_space<smem>>
    %get3A_482 = arith.constant 0 : index
    %get3A_483 = arith.constant 0 : index
    %get3A_484 = arith.constant 53 : index
    %get3A_485 = memref.load %arg4[%get3A_482, %get3A_483, %get3A_484] : memref<1x1x128xi32, #tpu.memory_space<smem>>
    %add3A_486 = arith.addi %add3A_478, %get3A_485 : i32
    %swap3A_487 = arith.constant 54 : i32
    %swap3A_488 = arith.index_cast %add3A_486 : i32 to index
    %swap3A_489 = memref.load %arg33[%swap3A_488] : memref<64xi32, #tpu.memory_space<smem>>
    memref.store %swap3A_487, %arg33[%swap3A_488] : memref<64xi32, #tpu.memory_space<smem>>
    %get3A_490 = arith.constant 0 : index
    %get3A_491 = arith.constant 0 : index
    %get3A_492 = arith.constant 54 : index
    %get3A_493 = memref.load %arg4[%get3A_490, %get3A_491, %get3A_492] : memref<1x1x128xi32, #tpu.memory_space<smem>>
    %add3A_494 = arith.addi %add3A_486, %get3A_493 : i32
    %swap3A_495 = arith.constant 55 : i32
    %swap3A_496 = arith.index_cast %add3A_494 : i32 to index
    %swap3A_497 = memref.load %arg33[%swap3A_496] : memref<64xi32, #tpu.memory_space<smem>>
    memref.store %swap3A_495, %arg33[%swap3A_496] : memref<64xi32, #tpu.memory_space<smem>>
    %get3A_498 = arith.constant 0 : index
    %get3A_499 = arith.constant 0 : index
    %get3A_500 = arith.constant 55 : index
    %get3A_501 = memref.load %arg4[%get3A_498, %get3A_499, %get3A_500] : memref<1x1x128xi32, #tpu.memory_space<smem>>
    %add3A_502 = arith.addi %add3A_494, %get3A_501 : i32
    %swap3A_503 = arith.constant 56 : i32
    %swap3A_504 = arith.index_cast %add3A_502 : i32 to index
    %swap3A_505 = memref.load %arg33[%swap3A_504] : memref<64xi32, #tpu.memory_space<smem>>
    memref.store %swap3A_503, %arg33[%swap3A_504] : memref<64xi32, #tpu.memory_space<smem>>
    %get3A_506 = arith.constant 0 : index
    %get3A_507 = arith.constant 0 : index
    %get3A_508 = arith.constant 56 : index
    %get3A_509 = memref.load %arg4[%get3A_506, %get3A_507, %get3A_508] : memref<1x1x128xi32, #tpu.memory_space<smem>>
    %add3A_510 = arith.addi %add3A_502, %get3A_509 : i32
    %swap3A_511 = arith.constant 57 : i32
    %swap3A_512 = arith.index_cast %add3A_510 : i32 to index
    %swap3A_513 = memref.load %arg33[%swap3A_512] : memref<64xi32, #tpu.memory_space<smem>>
    memref.store %swap3A_511, %arg33[%swap3A_512] : memref<64xi32, #tpu.memory_space<smem>>
    %get3A_514 = arith.constant 0 : index
    %get3A_515 = arith.constant 0 : index
    %get3A_516 = arith.constant 57 : index
    %get3A_517 = memref.load %arg4[%get3A_514, %get3A_515, %get3A_516] : memref<1x1x128xi32, #tpu.memory_space<smem>>
    %add3A_518 = arith.addi %add3A_510, %get3A_517 : i32
    %swap3A_519 = arith.constant 58 : i32
    %swap3A_520 = arith.index_cast %add3A_518 : i32 to index
    %swap3A_521 = memref.load %arg33[%swap3A_520] : memref<64xi32, #tpu.memory_space<smem>>
    memref.store %swap3A_519, %arg33[%swap3A_520] : memref<64xi32, #tpu.memory_space<smem>>
    %get3A_522 = arith.constant 0 : index
    %get3A_523 = arith.constant 0 : index
    %get3A_524 = arith.constant 58 : index
    %get3A_525 = memref.load %arg4[%get3A_522, %get3A_523, %get3A_524] : memref<1x1x128xi32, #tpu.memory_space<smem>>
    %add3A_526 = arith.addi %add3A_518, %get3A_525 : i32
    %swap3A_527 = arith.constant 59 : i32
    %swap3A_528 = arith.index_cast %add3A_526 : i32 to index
    %swap3A_529 = memref.load %arg33[%swap3A_528] : memref<64xi32, #tpu.memory_space<smem>>
    memref.store %swap3A_527, %arg33[%swap3A_528] : memref<64xi32, #tpu.memory_space<smem>>
    %get3A_530 = arith.constant 0 : index
    %get3A_531 = arith.constant 0 : index
    %get3A_532 = arith.constant 59 : index
    %get3A_533 = memref.load %arg4[%get3A_530, %get3A_531, %get3A_532] : memref<1x1x128xi32, #tpu.memory_space<smem>>
    %add3A_534 = arith.addi %add3A_526, %get3A_533 : i32
    %swap3A_535 = arith.constant 60 : i32
    %swap3A_536 = arith.index_cast %add3A_534 : i32 to index
    %swap3A_537 = memref.load %arg33[%swap3A_536] : memref<64xi32, #tpu.memory_space<smem>>
    memref.store %swap3A_535, %arg33[%swap3A_536] : memref<64xi32, #tpu.memory_space<smem>>
    %get3A_538 = arith.constant 0 : index
    %get3A_539 = arith.constant 0 : index
    %get3A_540 = arith.constant 60 : index
    %get3A_541 = memref.load %arg4[%get3A_538, %get3A_539, %get3A_540] : memref<1x1x128xi32, #tpu.memory_space<smem>>
    %add3A_542 = arith.addi %add3A_534, %get3A_541 : i32
    %swap3A_543 = arith.constant 61 : i32
    %swap3A_544 = arith.index_cast %add3A_542 : i32 to index
    %swap3A_545 = memref.load %arg33[%swap3A_544] : memref<64xi32, #tpu.memory_space<smem>>
    memref.store %swap3A_543, %arg33[%swap3A_544] : memref<64xi32, #tpu.memory_space<smem>>
    %get3A_546 = arith.constant 0 : index
    %get3A_547 = arith.constant 0 : index
    %get3A_548 = arith.constant 61 : index
    %get3A_549 = memref.load %arg4[%get3A_546, %get3A_547, %get3A_548] : memref<1x1x128xi32, #tpu.memory_space<smem>>
    %add3A_550 = arith.addi %add3A_542, %get3A_549 : i32
    %swap3A_551 = arith.constant 62 : i32
    %swap3A_552 = arith.index_cast %add3A_550 : i32 to index
    %swap3A_553 = memref.load %arg33[%swap3A_552] : memref<64xi32, #tpu.memory_space<smem>>
    memref.store %swap3A_551, %arg33[%swap3A_552] : memref<64xi32, #tpu.memory_space<smem>>
    %get3A_554 = arith.constant 0 : index
    %get3A_555 = arith.constant 0 : index
    %get3A_556 = arith.constant 62 : index
    %get3A_557 = memref.load %arg4[%get3A_554, %get3A_555, %get3A_556] : memref<1x1x128xi32, #tpu.memory_space<smem>>
    %add3A_558 = arith.addi %add3A_550, %get3A_557 : i32
    %swap3A_559 = arith.constant 63 : i32
    %swap3A_560 = arith.index_cast %add3A_558 : i32 to index
    %swap3A_561 = memref.load %arg33[%swap3A_560] : memref<64xi32, #tpu.memory_space<smem>>
    memref.store %swap3A_559, %arg33[%swap3A_560] : memref<64xi32, #tpu.memory_space<smem>>
    %get3A_562 = arith.constant 0 : index
    %get3A_563 = arith.constant 0 : index
    %get3A_564 = arith.constant 63 : index
    %get3A_565 = memref.load %arg4[%get3A_562, %get3A_563, %get3A_564] : memref<1x1x128xi32, #tpu.memory_space<smem>>
    %add3A_566 = arith.addi %add3A_558, %get3A_565 : i32
    %iota3A = tpu.iota {dimensions = array<i32: 1>} : vector<1x1024xi32>
    %mul3A_567 = arith.constant 1024 : i32
    %mul3A_568 = arith.muli %arg1, %mul3A_567 : i32
    %add3A_569 = vector.broadcast %mul3A_568 : i32 to vector<1x1024xi32>
    %add3A_570 = arith.addi %iota3A, %add3A_569 : vector<1x1024xi32>
    %jit3A = arith.constant 128 : i32
    %div3A = vector.broadcast %jit3A : i32 to vector<1x1024xi32>
    %div3A_571 = arith.divsi %add3A_570, %div3A : vector<1x1024xi32>
    %sign3A = arith.constant 0 : i32
    %sign3A_572 = vector.broadcast %sign3A : i32 to vector<1x1024xi32>
    %sign3A_573 = arith.cmpi sgt, %add3A_570, %sign3A_572 : vector<1x1024xi32>
    %sign3A_574 = arith.extui %sign3A_573 : vector<1x1024xi1> to vector<1x1024xi32>
    %sign3A_575 = arith.constant 0 : i32
    %sign3A_576 = vector.broadcast %sign3A_575 : i32 to vector<1x1024xi32>
    %sign3A_577 = arith.cmpi slt, %add3A_570, %sign3A_576 : vector<1x1024xi32>
    %sign3A_578 = arith.extui %sign3A_577 : vector<1x1024xi1> to vector<1x1024xi32>
    %sign3A_579 = arith.subi %sign3A_574, %sign3A_578 : vector<1x1024xi32>
    %sign3A_580 = arith.constant 0 : i32
    %sign3A_581 = arith.cmpi sgt, %jit3A, %sign3A_580 : i32
    %sign3A_582 = arith.extui %sign3A_581 : i1 to i32
    %sign3A_583 = arith.constant 0 : i32
    %sign3A_584 = arith.cmpi slt, %jit3A, %sign3A_583 : i32
    %sign3A_585 = arith.extui %sign3A_584 : i1 to i32
    %sign3A_586 = arith.subi %sign3A_582, %sign3A_585 : i32
    %ne3A = vector.broadcast %sign3A_586 : i32 to vector<1x1024xi32>
    %ne3A_587 = arith.cmpi ne, %sign3A_579, %ne3A : vector<1x1024xi32>
    %rem3A = vector.broadcast %jit3A : i32 to vector<1x1024xi32>
    %rem3A_588 = arith.remsi %add3A_570, %rem3A : vector<1x1024xi32>
    %ne3A_589 = arith.constant 0 : i32
    %ne3A_590 = vector.broadcast %ne3A_589 : i32 to vector<1x1024xi32>
    %ne3A_591 = arith.cmpi ne, %rem3A_588, %ne3A_590 : vector<1x1024xi32>
    %and3A = arith.andi %ne3A_587, %ne3A_591 : vector<1x1024xi1>
    %sub3A = arith.constant 1 : i32
    %sub3A_592 = vector.broadcast %sub3A : i32 to vector<1x1024xi32>
    %sub3A_593 = arith.subi %div3A_571, %sub3A_592 : vector<1x1024xi32>
    %select_n3A = arith.select %and3A, %sub3A_593, %div3A_571 : vector<1x1024xi1>, vector<1x1024xi32>
    %convert_element_type3A_594 = arith.sitofp %select_n3A : vector<1x1024xi32> to vector<1x1024xf32>
    %jit3A_595 = arith.constant 128 : i32
    %eq3A_596 = arith.constant 0 : i32
    %eq3A_597 = arith.cmpi eq, %jit3A_595, %eq3A_596 : i32
    %jit3A_598 = arith.constant 1 : i32
    %select_n3A_599 = arith.select %eq3A_597, %jit3A_598, %jit3A_595 : i32
    %rem3A_600 = vector.broadcast %select_n3A_599 : i32 to vector<1x1024xi32>
    %rem3A_601 = arith.remsi %add3A_570, %rem3A_600 : vector<1x1024xi32>
    %ne3A_602 = arith.constant 0 : i32
    %ne3A_603 = vector.broadcast %ne3A_602 : i32 to vector<1x1024xi32>
    %ne3A_604 = arith.cmpi ne, %rem3A_601, %ne3A_603 : vector<1x1024xi32>
    %lt3A = arith.constant 0 : i32
    %lt3A_605 = vector.broadcast %lt3A : i32 to vector<1x1024xi32>
    %lt3A_606 = arith.cmpi slt, %rem3A_601, %lt3A_605 : vector<1x1024xi32>
    %lt3A_607 = arith.constant 0 : i32
    %lt3A_608 = arith.cmpi slt, %select_n3A_599, %lt3A_607 : i32
    %ne3A_609 = vector.broadcast %lt3A_608 : i1 to vector<1x1024xi1>
    %ne3A_610 = vector.broadcast %ne3A_609 : vector<1x1024xi1> to vector<1x1024xi1>
    %ne3A_611 = arith.xori %lt3A_606, %ne3A_610 : vector<1x1024xi1>
    %and3A_612 = arith.andi %ne3A_611, %ne3A_604 : vector<1x1024xi1>
    %add3A_613 = vector.broadcast %select_n3A_599 : i32 to vector<1x1024xi32>
    %add3A_614 = arith.addi %rem3A_601, %add3A_613 : vector<1x1024xi32>
    %select_n3A_615 = arith.select %and3A_612, %add3A_614, %rem3A_601 : vector<1x1024xi1>, vector<1x1024xi32>
    %convert_element_type3A_616 = arith.sitofp %select_n3A_615 : vector<1x1024xi32> to vector<1x1024xf32>
    %get3A_617 = arith.constant 0 : index
    %get3A_618 = arith.constant 0 : index
    %get3A_619 = vector.load %arg24[%get3A_617, %get3A_618] : memref<1x64xf32, #tpu.memory_space<vmem>>, vector<1x64xf32>
    %reshape3A_620 = vector.shape_cast %get3A_619 : vector<1x64xf32> to vector<64x1xf32>
    %get3A_621 = arith.constant 0 : index
    %get3A_622 = arith.constant 0 : index
    %get3A_623 = memref.load %arg5[%get3A_621, %get3A_622] : memref<1x1xf32, #tpu.memory_space<smem>>
    %broadcast_in_dim3A = arith.constant -1.000000e+30 : f32
    %broadcast_in_dim3A_624 = vector.broadcast %broadcast_in_dim3A : f32 to vector<64x1024xf32>
    %swap3A_625 = arith.constant 0 : index
    %swap3A_626 = arith.constant 0 : index
    %swap3A_627 = vector.load %arg28[%swap3A_625, %swap3A_626] : memref<64x1024xf32, #tpu.memory_space<vmem>>, vector<64x1024xf32>
    tpu.vector_store %arg28[%swap3A_625, %swap3A_626], %broadcast_in_dim3A_624 {strides = array<i32>} : memref<64x1024xf32, #tpu.memory_space<vmem>>, vector<64x1024xf32>,
    %broadcast_in_dim3A_628 = arith.constant 0.000000e+00 : f32
    %broadcast_in_dim3A_629 = vector.broadcast %broadcast_in_dim3A_628 : f32 to vector<64x64xf32>
    %swap3A_630 = arith.constant 0 : index
    %swap3A_631 = arith.constant 0 : index
    %swap3A_632 = vector.load %arg32[%swap3A_630, %swap3A_631] : memref<64x64xf32, #tpu.memory_space<vmem>>, vector<64x64xf32>
    tpu.vector_store %arg32[%swap3A_630, %swap3A_631], %broadcast_in_dim3A_629 {strides = array<i32>} : memref<64x64xf32, #tpu.memory_space<vmem>>, vector<64x64xf32>,
    %get3A_633 = arith.constant 0 : index
    %get3A_634 = arith.constant 0 : index
    %get3A_635 = vector.load %arg29[%get3A_633, %get3A_634] : memref<64x1024xf32, #tpu.memory_space<vmem>>, vector<64x1024xf32>
    %add3A_636 = arith.constant 2 : i32
    %add3A_637 = arith.addi %add3A_566, %add3A_636 : i32
    %sub3A_638 = arith.constant 1 : i32
    %sub3A_639 = arith.subi %add3A_637, %sub3A_638 : i32
    %jit3A_640 = arith.constant 2 : i32
    %div3A_641 = arith.divsi %sub3A_639, %jit3A_640 : i32
    %sign3A_642 = arith.constant 0 : i32
    %sign3A_643 = arith.cmpi sgt, %sub3A_639, %sign3A_642 : i32
    %sign3A_644 = arith.extui %sign3A_643 : i1 to i32
    %sign3A_645 = arith.constant 0 : i32
    %sign3A_646 = arith.cmpi slt, %sub3A_639, %sign3A_645 : i32
    %sign3A_647 = arith.extui %sign3A_646 : i1 to i32
    %sign3A_648 = arith.subi %sign3A_644, %sign3A_647 : i32
    %sign3A_649 = arith.constant 0 : i32
    %sign3A_650 = arith.cmpi sgt, %jit3A_640, %sign3A_649 : i32
    %sign3A_651 = arith.extui %sign3A_650 : i1 to i32
    %sign3A_652 = arith.constant 0 : i32
    %sign3A_653 = arith.cmpi slt, %jit3A_640, %sign3A_652 : i32
    %sign3A_654 = arith.extui %sign3A_653 : i1 to i32
    %sign3A_655 = arith.subi %sign3A_651, %sign3A_654 : i32
    %ne3A_656 = arith.cmpi ne, %sign3A_648, %sign3A_655 : i32
    %rem3A_657 = arith.remsi %sub3A_639, %jit3A_640 : i32
    %ne3A_658 = arith.constant 0 : i32
    %ne3A_659 = arith.cmpi ne, %rem3A_657, %ne3A_658 : i32
    %and3A_660 = arith.andi %ne3A_656, %ne3A_659 : i1
    %sub3A_661 = arith.constant 1 : i32
    %sub3A_662 = arith.subi %div3A_641, %sub3A_661 : i32
    %select_n3A_663 = arith.select %and3A_660, %sub3A_662, %div3A_641 : i32
    %while3A = arith.constant 0 : i32
    %while3A_664 = arith.constant 2.560000e+02 : f32
    %while3A_665 = arith.constant 0 : i32
    %while3A_666 = arith.subi %select_n3A_663, %while3A_665 : i32
    %while3A_667 = arith.addi %while3A_665, %while3A_666 : i32
    %while3A_668 = arith.constant 1 : i32
    %while3A_669 = arith.divsi %while3A_666, %while3A_668 : i32
    %while3A_670 = arith.muli %while3A_669, %while3A_668 : i32
    %while3A_671 = arith.addi %while3A_665, %while3A_670 : i32
    %while3A_672 = arith.constant 1 : i32
    scf.for %while3A_715 = %while3A_665 to %while3A_671 step %while3A_672  : i32 {
      %mul3A_716 = arith.constant 2 : i32
      %mul3A_717 = arith.muli %mul3A_716, %while3A_715 : i32
      %add3A_718 = arith.constant 0 : i32
      %add3A_719 = arith.addi %mul3A_717, %add3A_718 : i32
      %get3A_720 = arith.index_cast %add3A_719 : i32 to index
      %get3A_721 = memref.load %arg33[%get3A_720] : memref<64xi32, #tpu.memory_space<smem>>
      %get3A_722 = arith.constant 0 : index
      %get3A_723 = arith.constant 0 : index
      %get3A_724 = arith.index_cast %get3A_721 : i32 to index
      %get3A_725 = memref.load %arg2[%get3A_722, %get3A_723, %get3A_724] : memref<1x1x64xi32, #tpu.memory_space<smem>>
      %convert_element_type3A_726 = arith.sitofp %get3A_725 : i32 to f32
      %get3A_727 = arith.constant 0 : index
      %get3A_728 = arith.constant 0 : index
      %get3A_729 = arith.index_cast %get3A_721 : i32 to index
      %get3A_730 = memref.load %arg3[%get3A_727, %get3A_728, %get3A_729] : memref<1x1x64xi32, #tpu.memory_space<smem>>
      %convert_element_type3A_731 = arith.sitofp %get3A_730 : i32 to f32
      %sub3A_732 = vector.broadcast %convert_element_type3A_726 : f32 to vector<1x1024xf32>
      %sub3A_733 = arith.subf %convert_element_type3A_594, %sub3A_732 : vector<1x1024xf32>
      %sub3A_734 = vector.broadcast %convert_element_type3A_731 : f32 to vector<1x1024xf32>
      %sub3A_735 = arith.subf %convert_element_type3A_616, %sub3A_734 : vector<1x1024xf32>
      %mul3A_736 = arith.mulf %sub3A_733, %sub3A_733 : vector<1x1024xf32>
      %mul3A_737 = arith.mulf %sub3A_735, %sub3A_735 : vector<1x1024xf32>
      %add3A_738 = arith.addf %mul3A_736, %mul3A_737 : vector<1x1024xf32>
      %sqrt3A = math.sqrt %add3A_738 : vector<1x1024xf32>
      %le3A = vector.broadcast %while3A_664 : f32 to vector<1x1024xf32>
      %le3A_739 = arith.cmpf ole, %add3A_738, %le3A : vector<1x1024xf32>
      %max3A_740 = arith.constant 9.99999997E-7 : f32
      %max3A_741 = vector.broadcast %max3A_740 : f32 to vector<1x1024xf32>
      %max3A_742 = arith.maximumf %sqrt3A, %max3A_741 : vector<1x1024xf32>
      %div3A_743 = arith.constant 1.000000e+00 : f32
      %div3A_744 = vector.broadcast %div3A_743 : f32 to vector<1x1024xf32>
      %div3A_745 = arith.divf %div3A_744, %max3A_742 : vector<1x1024xf32>
      %mul3A_746 = arith.mulf %sub3A_735, %div3A_745 : vector<1x1024xf32>
      %gt3A_747 = arith.constant 0.000000e+00 : f32
      %gt3A_748 = vector.broadcast %gt3A_747 : f32 to vector<1x1024xf32>
      %gt3A_749 = arith.cmpf ogt, %sqrt3A, %gt3A_748 : vector<1x1024xf32>
      %neg3A = arith.constant 0.000000e+00 : f32
      %neg3A_750 = vector.broadcast %neg3A : f32 to vector<1x1024xf32>
      %neg3A_751 = arith.subf %neg3A_750, %sub3A_733 : vector<1x1024xf32>
      %mul3A_752 = arith.mulf %neg3A_751, %div3A_745 : vector<1x1024xf32>
      %jit3A_753 = arith.constant -1.000000e+00 : f32
      %broadcast_in_dim3A_754 = vector.broadcast %jit3A_753 : f32 to vector<1x1024xf32>
      %select_n3A_755 = arith.select %gt3A_749, %mul3A_752, %broadcast_in_dim3A_754 : vector<1x1024xi1>, vector<1x1024xf32>
      %get3A_756 = arith.index_cast %get3A_721 : i32 to index
      %get3A_757 = arith.constant 0 : index
      %get3A_758 = vector.load %arg30[%get3A_756, %get3A_757] : memref<64x64xf32, #tpu.memory_space<vmem>>, vector<1x64xf32>
      %reshape3A_759 = vector.shape_cast %get3A_758 : vector<1x64xf32> to vector<64x1xf32>
      %add3A_760 = vector.broadcast %reshape3A_759 : vector<64x1xf32> to vector<64x1024xf32>
      %add3A_761 = arith.addf %get3A_635, %add3A_760 : vector<64x1024xf32>
      %mul3A_762 = arith.constant 6.250000e-02 : f32
      %mul3A_763 = vector.broadcast %mul3A_762 : f32 to vector<1x1024xf32>
      %mul3A_764 = arith.mulf %max3A_742, %mul3A_763 : vector<1x1024xf32>
      %mul3A_765 = vector.broadcast %reshape3A : vector<64x1xf32> to vector<64x1024xf32>
      %mul3A_766 = vector.broadcast %mul3A_764 : vector<1x1024xf32> to vector<64x1024xf32>
      %mul3A_767 = arith.mulf %mul3A_765, %mul3A_766 : vector<64x1024xf32>
      %add3A_768 = arith.addf %add3A_761, %mul3A_767 : vector<64x1024xf32>
      %mul3A_769 = vector.broadcast %reshape3A_20 : vector<64x1xf32> to vector<64x1024xf32>
      %mul3A_770 = vector.broadcast %mul3A_746 : vector<1x1024xf32> to vector<64x1024xf32>
      %mul3A_771 = arith.mulf %mul3A_769, %mul3A_770 : vector<64x1024xf32>
      %add3A_772 = arith.addf %add3A_768, %mul3A_771 : vector<64x1024xf32>
      %mul3A_773 = vector.broadcast %reshape3A_24 : vector<64x1xf32> to vector<64x1024xf32>
      %mul3A_774 = vector.broadcast %select_n3A_755 : vector<1x1024xf32> to vector<64x1024xf32>
      %mul3A_775 = arith.mulf %mul3A_773, %mul3A_774 : vector<64x1024xf32>
      %add3A_776 = arith.addf %add3A_772, %mul3A_775 : vector<64x1024xf32>
      %max3A_777 = arith.constant 0.000000e+00 : f32
      %max3A_778 = vector.broadcast %max3A_777 : f32 to vector<64x1024xf32>
      %max3A_779 = arith.maximumf %add3A_776, %max3A_778 : vector<64x1024xf32>
      %mul3A_780 = vector.broadcast %reshape3A_620 : vector<64x1xf32> to vector<64x1024xf32>
      %mul3A_781 = arith.mulf %max3A_779, %mul3A_780 : vector<64x1024xf32>
      %reduce_sum3A_782 = arith.constant dense<0.000000e+00> : vector<1024xf32>
      %reduce_sum3A_783 = vector.multi_reduction <add>, %mul3A_781, %reduce_sum3A_782 [0] : vector<64x1024xf32> to vector<1024xf32>
      %broadcast_in_dim3A_784 = vector.shape_cast %reduce_sum3A_783 : vector<1024xf32> to vector<1x1024xf32>
      %add3A_785 = vector.broadcast %get3A_623 : f32 to vector<1x1024xf32>
      %add3A_786 = arith.addf %broadcast_in_dim3A_784, %add3A_785 : vector<1x1024xf32>
      %jit3A_787 = arith.constant -1.000000e+30 : f32
      %broadcast_in_dim3A_788 = vector.broadcast %jit3A_787 : f32 to vector<1x1024xf32>
      %select_n3A_789 = arith.select %le3A_739, %add3A_786, %broadcast_in_dim3A_788 : vector<1x1024xi1>, vector<1x1024xf32>
      %add3A_790 = arith.constant 1 : i32
      %add3A_791 = arith.addi %mul3A_717, %add3A_790 : i32
      %get3A_792 = arith.index_cast %add3A_791 : i32 to index
      %get3A_793 = memref.load %arg33[%get3A_792] : memref<64xi32, #tpu.memory_space<smem>>
      %get3A_794 = arith.constant 0 : index
      %get3A_795 = arith.constant 0 : index
      %get3A_796 = arith.index_cast %get3A_793 : i32 to index
      %get3A_797 = memref.load %arg2[%get3A_794, %get3A_795, %get3A_796] : memref<1x1x64xi32, #tpu.memory_space<smem>>
      %convert_element_type3A_798 = arith.sitofp %get3A_797 : i32 to f32
      %get3A_799 = arith.constant 0 : index
      %get3A_800 = arith.constant 0 : index
      %get3A_801 = arith.index_cast %get3A_793 : i32 to index
      %get3A_802 = memref.load %arg3[%get3A_799, %get3A_800, %get3A_801] : memref<1x1x64xi32, #tpu.memory_space<smem>>
      %convert_element_type3A_803 = arith.sitofp %get3A_802 : i32 to f32
      %sub3A_804 = vector.broadcast %convert_element_type3A_798 : f32 to vector<1x1024xf32>
      %sub3A_805 = arith.subf %convert_element_type3A_594, %sub3A_804 : vector<1x1024xf32>
      %sub3A_806 = vector.broadcast %convert_element_type3A_803 : f32 to vector<1x1024xf32>
      %sub3A_807 = arith.subf %convert_element_type3A_616, %sub3A_806 : vector<1x1024xf32>
      %mul3A_808 = arith.mulf %sub3A_805, %sub3A_805 : vector<1x1024xf32>
      %mul3A_809 = arith.mulf %sub3A_807, %sub3A_807 : vector<1x1024xf32>
      %add3A_810 = arith.addf %mul3A_808, %mul3A_809 : vector<1x1024xf32>
      %sqrt3A_811 = math.sqrt %add3A_810 : vector<1x1024xf32>
      %le3A_812 = vector.broadcast %while3A_664 : f32 to vector<1x1024xf32>
      %le3A_813 = arith.cmpf ole, %add3A_810, %le3A_812 : vector<1x1024xf32>
      %max3A_814 = arith.constant 9.99999997E-7 : f32
      %max3A_815 = vector.broadcast %max3A_814 : f32 to vector<1x1024xf32>
      %max3A_816 = arith.maximumf %sqrt3A_811, %max3A_815 : vector<1x1024xf32>
      %div3A_817 = arith.constant 1.000000e+00 : f32
      %div3A_818 = vector.broadcast %div3A_817 : f32 to vector<1x1024xf32>
      %div3A_819 = arith.divf %div3A_818, %max3A_816 : vector<1x1024xf32>
      %mul3A_820 = arith.mulf %sub3A_807, %div3A_819 : vector<1x1024xf32>
      %gt3A_821 = arith.constant 0.000000e+00 : f32
      %gt3A_822 = vector.broadcast %gt3A_821 : f32 to vector<1x1024xf32>
      %gt3A_823 = arith.cmpf ogt, %sqrt3A_811, %gt3A_822 : vector<1x1024xf32>
      %neg3A_824 = arith.constant 0.000000e+00 : f32
      %neg3A_825 = vector.broadcast %neg3A_824 : f32 to vector<1x1024xf32>
      %neg3A_826 = arith.subf %neg3A_825, %sub3A_805 : vector<1x1024xf32>
      %mul3A_827 = arith.mulf %neg3A_826, %div3A_819 : vector<1x1024xf32>
      %jit3A_828 = arith.constant -1.000000e+00 : f32
      %broadcast_in_dim3A_829 = vector.broadcast %jit3A_828 : f32 to vector<1x1024xf32>
      %select_n3A_830 = arith.select %gt3A_823, %mul3A_827, %broadcast_in_dim3A_829 : vector<1x1024xi1>, vector<1x1024xf32>
      %get3A_831 = arith.index_cast %get3A_793 : i32 to index
      %get3A_832 = arith.constant 0 : index
      %get3A_833 = vector.load %arg30[%get3A_831, %get3A_832] : memref<64x64xf32, #tpu.memory_space<vmem>>, vector<1x64xf32>
      %reshape3A_834 = vector.shape_cast %get3A_833 : vector<1x64xf32> to vector<64x1xf32>
      %add3A_835 = vector.broadcast %reshape3A_834 : vector<64x1xf32> to vector<64x1024xf32>
      %add3A_836 = arith.addf %get3A_635, %add3A_835 : vector<64x1024xf32>
      %mul3A_837 = arith.constant 6.250000e-02 : f32
      %mul3A_838 = vector.broadcast %mul3A_837 : f32 to vector<1x1024xf32>
      %mul3A_839 = arith.mulf %max3A_816, %mul3A_838 : vector<1x1024xf32>
      %mul3A_840 = vector.broadcast %reshape3A : vector<64x1xf32> to vector<64x1024xf32>
      %mul3A_841 = vector.broadcast %mul3A_839 : vector<1x1024xf32> to vector<64x1024xf32>
      %mul3A_842 = arith.mulf %mul3A_840, %mul3A_841 : vector<64x1024xf32>
      %add3A_843 = arith.addf %add3A_836, %mul3A_842 : vector<64x1024xf32>
      %mul3A_844 = vector.broadcast %reshape3A_20 : vector<64x1xf32> to vector<64x1024xf32>
      %mul3A_845 = vector.broadcast %mul3A_820 : vector<1x1024xf32> to vector<64x1024xf32>
      %mul3A_846 = arith.mulf %mul3A_844, %mul3A_845 : vector<64x1024xf32>
      %add3A_847 = arith.addf %add3A_843, %mul3A_846 : vector<64x1024xf32>
      %mul3A_848 = vector.broadcast %reshape3A_24 : vector<64x1xf32> to vector<64x1024xf32>
      %mul3A_849 = vector.broadcast %select_n3A_830 : vector<1x1024xf32> to vector<64x1024xf32>
      %mul3A_850 = arith.mulf %mul3A_848, %mul3A_849 : vector<64x1024xf32>
      %add3A_851 = arith.addf %add3A_847, %mul3A_850 : vector<64x1024xf32>
      %max3A_852 = arith.constant 0.000000e+00 : f32
      %max3A_853 = vector.broadcast %max3A_852 : f32 to vector<64x1024xf32>
      %max3A_854 = arith.maximumf %add3A_851, %max3A_853 : vector<64x1024xf32>
      %mul3A_855 = vector.broadcast %reshape3A_620 : vector<64x1xf32> to vector<64x1024xf32>
      %mul3A_856 = arith.mulf %max3A_854, %mul3A_855 : vector<64x1024xf32>
      %reduce_sum3A_857 = arith.constant dense<0.000000e+00> : vector<1024xf32>
      %reduce_sum3A_858 = vector.multi_reduction <add>, %mul3A_856, %reduce_sum3A_857 [0] : vector<64x1024xf32> to vector<1024xf32>
      %broadcast_in_dim3A_859 = vector.shape_cast %reduce_sum3A_858 : vector<1024xf32> to vector<1x1024xf32>
      %add3A_860 = vector.broadcast %get3A_623 : f32 to vector<1x1024xf32>
      %add3A_861 = arith.addf %broadcast_in_dim3A_859, %add3A_860 : vector<1x1024xf32>
      %jit3A_862 = arith.constant -1.000000e+30 : f32
      %broadcast_in_dim3A_863 = vector.broadcast %jit3A_862 : f32 to vector<1x1024xf32>
      %select_n3A_864 = arith.select %le3A_813, %add3A_861, %broadcast_in_dim3A_863 : vector<1x1024xi1>, vector<1x1024xf32>
      %swap3A_865 = arith.index_cast %mul3A_717 : i32 to index
      %swap3A_866 = arith.constant 0 : index
      %swap3A_867 = vector.load %arg28[%swap3A_865, %swap3A_866] : memref<64x1024xf32, #tpu.memory_space<vmem>>, vector<1x1024xf32>
      tpu.vector_store %arg28[%swap3A_865, %swap3A_866], %select_n3A_789 {strides = array<i32>} : memref<64x1024xf32, #tpu.memory_space<vmem>>, vector<1x1024xf32>,
      %get3A_868 = arith.index_cast %get3A_721 : i32 to index
      %get3A_869 = arith.constant 0 : index
      %get3A_870 = vector.load %arg31[%get3A_868, %get3A_869] : memref<64x64xf32, #tpu.memory_space<vmem>>, vector<1x64xf32>
      %swap3A_871 = arith.index_cast %mul3A_717 : i32 to index
      %swap3A_872 = arith.constant 0 : index
      %swap3A_873 = vector.load %arg32[%swap3A_871, %swap3A_872] : memref<64x64xf32, #tpu.memory_space<vmem>>, vector<1x64xf32>
      tpu.vector_store %arg32[%swap3A_871, %swap3A_872], %get3A_870 {strides = array<i32>} : memref<64x64xf32, #tpu.memory_space<vmem>>, vector<1x64xf32>,
      %add3A_874 = arith.constant 1 : i32
      %add3A_875 = arith.addi %mul3A_717, %add3A_874 : i32
      %lt3A_876 = arith.cmpi slt, %add3A_875, %add3A_566 : i32
      %convert_element_type3A_877 = arith.extui %lt3A_876 : i1 to i32
      %cond3A_878 = arith.constant 0 : i32
      %cond3A_879 = arith.cmpi ne, %convert_element_type3A_877, %cond3A_878 : i32
      scf.if %cond3A_879 {
        %swap3A_880 = arith.index_cast %add3A_875 : i32 to index
        %swap3A_881 = arith.constant 0 : index
        %swap3A_882 = vector.load %arg28[%swap3A_880, %swap3A_881] : memref<64x1024xf32, #tpu.memory_space<vmem>>, vector<1x1024xf32>
        tpu.vector_store %arg28[%swap3A_880, %swap3A_881], %select_n3A_864 {strides = array<i32>} : memref<64x1024xf32, #tpu.memory_space<vmem>>, vector<1x1024xf32>,
        %get3A_883 = arith.index_cast %get3A_793 : i32 to index
        %get3A_884 = arith.constant 0 : index
        %get3A_885 = vector.load %arg31[%get3A_883, %get3A_884] : memref<64x64xf32, #tpu.memory_space<vmem>>, vector<1x64xf32>
        %swap3A_886 = arith.index_cast %add3A_875 : i32 to index
        %swap3A_887 = arith.constant 0 : index
        %swap3A_888 = vector.load %arg32[%swap3A_886, %swap3A_887] : memref<64x64xf32, #tpu.memory_space<vmem>>, vector<1x64xf32>
        tpu.vector_store %arg32[%swap3A_886, %swap3A_887], %get3A_885 {strides = array<i32>} : memref<64x64xf32, #tpu.memory_space<vmem>>, vector<1x64xf32>,
      } else {
      }
    }
    %while3A_673 = arith.constant 1 : i32
    scf.for %while3A_715 = %while3A_671 to %while3A_667 step %while3A_673  : i32 {
      %mul3A_716 = arith.constant 2 : i32
      %mul3A_717 = arith.muli %mul3A_716, %while3A_715 : i32
      %add3A_718 = arith.constant 0 : i32
      %add3A_719 = arith.addi %mul3A_717, %add3A_718 : i32
      %get3A_720 = arith.index_cast %add3A_719 : i32 to index
      %get3A_721 = memref.load %arg33[%get3A_720] : memref<64xi32, #tpu.memory_space<smem>>
      %get3A_722 = arith.constant 0 : index
      %get3A_723 = arith.constant 0 : index
      %get3A_724 = arith.index_cast %get3A_721 : i32 to index
      %get3A_725 = memref.load %arg2[%get3A_722, %get3A_723, %get3A_724] : memref<1x1x64xi32, #tpu.memory_space<smem>>
      %convert_element_type3A_726 = arith.sitofp %get3A_725 : i32 to f32
      %get3A_727 = arith.constant 0 : index
      %get3A_728 = arith.constant 0 : index
      %get3A_729 = arith.index_cast %get3A_721 : i32 to index
      %get3A_730 = memref.load %arg3[%get3A_727, %get3A_728, %get3A_729] : memref<1x1x64xi32, #tpu.memory_space<smem>>
      %convert_element_type3A_731 = arith.sitofp %get3A_730 : i32 to f32
      %sub3A_732 = vector.broadcast %convert_element_type3A_726 : f32 to vector<1x1024xf32>
      %sub3A_733 = arith.subf %convert_element_type3A_594, %sub3A_732 : vector<1x1024xf32>
      %sub3A_734 = vector.broadcast %convert_element_type3A_731 : f32 to vector<1x1024xf32>
      %sub3A_735 = arith.subf %convert_element_type3A_616, %sub3A_734 : vector<1x1024xf32>
      %mul3A_736 = arith.mulf %sub3A_733, %sub3A_733 : vector<1x1024xf32>
      %mul3A_737 = arith.mulf %sub3A_735, %sub3A_735 : vector<1x1024xf32>
      %add3A_738 = arith.addf %mul3A_736, %mul3A_737 : vector<1x1024xf32>
      %sqrt3A = math.sqrt %add3A_738 : vector<1x1024xf32>
      %le3A = vector.broadcast %while3A_664 : f32 to vector<1x1024xf32>
      %le3A_739 = arith.cmpf ole, %add3A_738, %le3A : vector<1x1024xf32>
      %max3A_740 = arith.constant 9.99999997E-7 : f32
      %max3A_741 = vector.broadcast %max3A_740 : f32 to vector<1x1024xf32>
      %max3A_742 = arith.maximumf %sqrt3A, %max3A_741 : vector<1x1024xf32>
      %div3A_743 = arith.constant 1.000000e+00 : f32
      %div3A_744 = vector.broadcast %div3A_743 : f32 to vector<1x1024xf32>
      %div3A_745 = arith.divf %div3A_744, %max3A_742 : vector<1x1024xf32>
      %mul3A_746 = arith.mulf %sub3A_735, %div3A_745 : vector<1x1024xf32>
      %gt3A_747 = arith.constant 0.000000e+00 : f32
      %gt3A_748 = vector.broadcast %gt3A_747 : f32 to vector<1x1024xf32>
      %gt3A_749 = arith.cmpf ogt, %sqrt3A, %gt3A_748 : vector<1x1024xf32>
      %neg3A = arith.constant 0.000000e+00 : f32
      %neg3A_750 = vector.broadcast %neg3A : f32 to vector<1x1024xf32>
      %neg3A_751 = arith.subf %neg3A_750, %sub3A_733 : vector<1x1024xf32>
      %mul3A_752 = arith.mulf %neg3A_751, %div3A_745 : vector<1x1024xf32>
      %jit3A_753 = arith.constant -1.000000e+00 : f32
      %broadcast_in_dim3A_754 = vector.broadcast %jit3A_753 : f32 to vector<1x1024xf32>
      %select_n3A_755 = arith.select %gt3A_749, %mul3A_752, %broadcast_in_dim3A_754 : vector<1x1024xi1>, vector<1x1024xf32>
      %get3A_756 = arith.index_cast %get3A_721 : i32 to index
      %get3A_757 = arith.constant 0 : index
      %get3A_758 = vector.load %arg30[%get3A_756, %get3A_757] : memref<64x64xf32, #tpu.memory_space<vmem>>, vector<1x64xf32>
      %reshape3A_759 = vector.shape_cast %get3A_758 : vector<1x64xf32> to vector<64x1xf32>
      %add3A_760 = vector.broadcast %reshape3A_759 : vector<64x1xf32> to vector<64x1024xf32>
      %add3A_761 = arith.addf %get3A_635, %add3A_760 : vector<64x1024xf32>
      %mul3A_762 = arith.constant 6.250000e-02 : f32
      %mul3A_763 = vector.broadcast %mul3A_762 : f32 to vector<1x1024xf32>
      %mul3A_764 = arith.mulf %max3A_742, %mul3A_763 : vector<1x1024xf32>
      %mul3A_765 = vector.broadcast %reshape3A : vector<64x1xf32> to vector<64x1024xf32>
      %mul3A_766 = vector.broadcast %mul3A_764 : vector<1x1024xf32> to vector<64x1024xf32>
      %mul3A_767 = arith.mulf %mul3A_765, %mul3A_766 : vector<64x1024xf32>
      %add3A_768 = arith.addf %add3A_761, %mul3A_767 : vector<64x1024xf32>
      %mul3A_769 = vector.broadcast %reshape3A_20 : vector<64x1xf32> to vector<64x1024xf32>
      %mul3A_770 = vector.broadcast %mul3A_746 : vector<1x1024xf32> to vector<64x1024xf32>
      %mul3A_771 = arith.mulf %mul3A_769, %mul3A_770 : vector<64x1024xf32>
      %add3A_772 = arith.addf %add3A_768, %mul3A_771 : vector<64x1024xf32>
      %mul3A_773 = vector.broadcast %reshape3A_24 : vector<64x1xf32> to vector<64x1024xf32>
      %mul3A_774 = vector.broadcast %select_n3A_755 : vector<1x1024xf32> to vector<64x1024xf32>
      %mul3A_775 = arith.mulf %mul3A_773, %mul3A_774 : vector<64x1024xf32>
      %add3A_776 = arith.addf %add3A_772, %mul3A_775 : vector<64x1024xf32>
      %max3A_777 = arith.constant 0.000000e+00 : f32
      %max3A_778 = vector.broadcast %max3A_777 : f32 to vector<64x1024xf32>
      %max3A_779 = arith.maximumf %add3A_776, %max3A_778 : vector<64x1024xf32>
      %mul3A_780 = vector.broadcast %reshape3A_620 : vector<64x1xf32> to vector<64x1024xf32>
      %mul3A_781 = arith.mulf %max3A_779, %mul3A_780 : vector<64x1024xf32>
      %reduce_sum3A_782 = arith.constant dense<0.000000e+00> : vector<1024xf32>
      %reduce_sum3A_783 = vector.multi_reduction <add>, %mul3A_781, %reduce_sum3A_782 [0] : vector<64x1024xf32> to vector<1024xf32>
      %broadcast_in_dim3A_784 = vector.shape_cast %reduce_sum3A_783 : vector<1024xf32> to vector<1x1024xf32>
      %add3A_785 = vector.broadcast %get3A_623 : f32 to vector<1x1024xf32>
      %add3A_786 = arith.addf %broadcast_in_dim3A_784, %add3A_785 : vector<1x1024xf32>
      %jit3A_787 = arith.constant -1.000000e+30 : f32
      %broadcast_in_dim3A_788 = vector.broadcast %jit3A_787 : f32 to vector<1x1024xf32>
      %select_n3A_789 = arith.select %le3A_739, %add3A_786, %broadcast_in_dim3A_788 : vector<1x1024xi1>, vector<1x1024xf32>
      %add3A_790 = arith.constant 1 : i32
      %add3A_791 = arith.addi %mul3A_717, %add3A_790 : i32
      %get3A_792 = arith.index_cast %add3A_791 : i32 to index
      %get3A_793 = memref.load %arg33[%get3A_792] : memref<64xi32, #tpu.memory_space<smem>>
      %get3A_794 = arith.constant 0 : index
      %get3A_795 = arith.constant 0 : index
      %get3A_796 = arith.index_cast %get3A_793 : i32 to index
      %get3A_797 = memref.load %arg2[%get3A_794, %get3A_795, %get3A_796] : memref<1x1x64xi32, #tpu.memory_space<smem>>
      %convert_element_type3A_798 = arith.sitofp %get3A_797 : i32 to f32
      %get3A_799 = arith.constant 0 : index
      %get3A_800 = arith.constant 0 : index
      %get3A_801 = arith.index_cast %get3A_793 : i32 to index
      %get3A_802 = memref.load %arg3[%get3A_799, %get3A_800, %get3A_801] : memref<1x1x64xi32, #tpu.memory_space<smem>>
      %convert_element_type3A_803 = arith.sitofp %get3A_802 : i32 to f32
      %sub3A_804 = vector.broadcast %convert_element_type3A_798 : f32 to vector<1x1024xf32>
      %sub3A_805 = arith.subf %convert_element_type3A_594, %sub3A_804 : vector<1x1024xf32>
      %sub3A_806 = vector.broadcast %convert_element_type3A_803 : f32 to vector<1x1024xf32>
      %sub3A_807 = arith.subf %convert_element_type3A_616, %sub3A_806 : vector<1x1024xf32>
      %mul3A_808 = arith.mulf %sub3A_805, %sub3A_805 : vector<1x1024xf32>
      %mul3A_809 = arith.mulf %sub3A_807, %sub3A_807 : vector<1x1024xf32>
      %add3A_810 = arith.addf %mul3A_808, %mul3A_809 : vector<1x1024xf32>
      %sqrt3A_811 = math.sqrt %add3A_810 : vector<1x1024xf32>
      %le3A_812 = vector.broadcast %while3A_664 : f32 to vector<1x1024xf32>
      %le3A_813 = arith.cmpf ole, %add3A_810, %le3A_812 : vector<1x1024xf32>
      %max3A_814 = arith.constant 9.99999997E-7 : f32
      %max3A_815 = vector.broadcast %max3A_814 : f32 to vector<1x1024xf32>
      %max3A_816 = arith.maximumf %sqrt3A_811, %max3A_815 : vector<1x1024xf32>
      %div3A_817 = arith.constant 1.000000e+00 : f32
      %div3A_818 = vector.broadcast %div3A_817 : f32 to vector<1x1024xf32>
      %div3A_819 = arith.divf %div3A_818, %max3A_816 : vector<1x1024xf32>
      %mul3A_820 = arith.mulf %sub3A_807, %div3A_819 : vector<1x1024xf32>
      %gt3A_821 = arith.constant 0.000000e+00 : f32
      %gt3A_822 = vector.broadcast %gt3A_821 : f32 to vector<1x1024xf32>
      %gt3A_823 = arith.cmpf ogt, %sqrt3A_811, %gt3A_822 : vector<1x1024xf32>
      %neg3A_824 = arith.constant 0.000000e+00 : f32
      %neg3A_825 = vector.broadcast %neg3A_824 : f32 to vector<1x1024xf32>
      %neg3A_826 = arith.subf %neg3A_825, %sub3A_805 : vector<1x1024xf32>
      %mul3A_827 = arith.mulf %neg3A_826, %div3A_819 : vector<1x1024xf32>
      %jit3A_828 = arith.constant -1.000000e+00 : f32
      %broadcast_in_dim3A_829 = vector.broadcast %jit3A_828 : f32 to vector<1x1024xf32>
      %select_n3A_830 = arith.select %gt3A_823, %mul3A_827, %broadcast_in_dim3A_829 : vector<1x1024xi1>, vector<1x1024xf32>
      %get3A_831 = arith.index_cast %get3A_793 : i32 to index
      %get3A_832 = arith.constant 0 : index
      %get3A_833 = vector.load %arg30[%get3A_831, %get3A_832] : memref<64x64xf32, #tpu.memory_space<vmem>>, vector<1x64xf32>
      %reshape3A_834 = vector.shape_cast %get3A_833 : vector<1x64xf32> to vector<64x1xf32>
      %add3A_835 = vector.broadcast %reshape3A_834 : vector<64x1xf32> to vector<64x1024xf32>
      %add3A_836 = arith.addf %get3A_635, %add3A_835 : vector<64x1024xf32>
      %mul3A_837 = arith.constant 6.250000e-02 : f32
      %mul3A_838 = vector.broadcast %mul3A_837 : f32 to vector<1x1024xf32>
      %mul3A_839 = arith.mulf %max3A_816, %mul3A_838 : vector<1x1024xf32>
      %mul3A_840 = vector.broadcast %reshape3A : vector<64x1xf32> to vector<64x1024xf32>
      %mul3A_841 = vector.broadcast %mul3A_839 : vector<1x1024xf32> to vector<64x1024xf32>
      %mul3A_842 = arith.mulf %mul3A_840, %mul3A_841 : vector<64x1024xf32>
      %add3A_843 = arith.addf %add3A_836, %mul3A_842 : vector<64x1024xf32>
      %mul3A_844 = vector.broadcast %reshape3A_20 : vector<64x1xf32> to vector<64x1024xf32>
      %mul3A_845 = vector.broadcast %mul3A_820 : vector<1x1024xf32> to vector<64x1024xf32>
      %mul3A_846 = arith.mulf %mul3A_844, %mul3A_845 : vector<64x1024xf32>
      %add3A_847 = arith.addf %add3A_843, %mul3A_846 : vector<64x1024xf32>
      %mul3A_848 = vector.broadcast %reshape3A_24 : vector<64x1xf32> to vector<64x1024xf32>
      %mul3A_849 = vector.broadcast %select_n3A_830 : vector<1x1024xf32> to vector<64x1024xf32>
      %mul3A_850 = arith.mulf %mul3A_848, %mul3A_849 : vector<64x1024xf32>
      %add3A_851 = arith.addf %add3A_847, %mul3A_850 : vector<64x1024xf32>
      %max3A_852 = arith.constant 0.000000e+00 : f32
      %max3A_853 = vector.broadcast %max3A_852 : f32 to vector<64x1024xf32>
      %max3A_854 = arith.maximumf %add3A_851, %max3A_853 : vector<64x1024xf32>
      %mul3A_855 = vector.broadcast %reshape3A_620 : vector<64x1xf32> to vector<64x1024xf32>
      %mul3A_856 = arith.mulf %max3A_854, %mul3A_855 : vector<64x1024xf32>
      %reduce_sum3A_857 = arith.constant dense<0.000000e+00> : vector<1024xf32>
      %reduce_sum3A_858 = vector.multi_reduction <add>, %mul3A_856, %reduce_sum3A_857 [0] : vector<64x1024xf32> to vector<1024xf32>
      %broadcast_in_dim3A_859 = vector.shape_cast %reduce_sum3A_858 : vector<1024xf32> to vector<1x1024xf32>
      %add3A_860 = vector.broadcast %get3A_623 : f32 to vector<1x1024xf32>
      %add3A_861 = arith.addf %broadcast_in_dim3A_859, %add3A_860 : vector<1x1024xf32>
      %jit3A_862 = arith.constant -1.000000e+30 : f32
      %broadcast_in_dim3A_863 = vector.broadcast %jit3A_862 : f32 to vector<1x1024xf32>
      %select_n3A_864 = arith.select %le3A_813, %add3A_861, %broadcast_in_dim3A_863 : vector<1x1024xi1>, vector<1x1024xf32>
      %swap3A_865 = arith.index_cast %mul3A_717 : i32 to index
      %swap3A_866 = arith.constant 0 : index
      %swap3A_867 = vector.load %arg28[%swap3A_865, %swap3A_866] : memref<64x1024xf32, #tpu.memory_space<vmem>>, vector<1x1024xf32>
      tpu.vector_store %arg28[%swap3A_865, %swap3A_866], %select_n3A_789 {strides = array<i32>} : memref<64x1024xf32, #tpu.memory_space<vmem>>, vector<1x1024xf32>,
      %get3A_868 = arith.index_cast %get3A_721 : i32 to index
      %get3A_869 = arith.constant 0 : index
      %get3A_870 = vector.load %arg31[%get3A_868, %get3A_869] : memref<64x64xf32, #tpu.memory_space<vmem>>, vector<1x64xf32>
      %swap3A_871 = arith.index_cast %mul3A_717 : i32 to index
      %swap3A_872 = arith.constant 0 : index
      %swap3A_873 = vector.load %arg32[%swap3A_871, %swap3A_872] : memref<64x64xf32, #tpu.memory_space<vmem>>, vector<1x64xf32>
      tpu.vector_store %arg32[%swap3A_871, %swap3A_872], %get3A_870 {strides = array<i32>} : memref<64x64xf32, #tpu.memory_space<vmem>>, vector<1x64xf32>,
      %add3A_874 = arith.constant 1 : i32
      %add3A_875 = arith.addi %mul3A_717, %add3A_874 : i32
      %lt3A_876 = arith.cmpi slt, %add3A_875, %add3A_566 : i32
      %convert_element_type3A_877 = arith.extui %lt3A_876 : i1 to i32
      %cond3A_878 = arith.constant 0 : i32
      %cond3A_879 = arith.cmpi ne, %convert_element_type3A_877, %cond3A_878 : i32
      scf.if %cond3A_879 {
        %swap3A_880 = arith.index_cast %add3A_875 : i32 to index
        %swap3A_881 = arith.constant 0 : index
        %swap3A_882 = vector.load %arg28[%swap3A_880, %swap3A_881] : memref<64x1024xf32, #tpu.memory_space<vmem>>, vector<1x1024xf32>
        tpu.vector_store %arg28[%swap3A_880, %swap3A_881], %select_n3A_864 {strides = array<i32>} : memref<64x1024xf32, #tpu.memory_space<vmem>>, vector<1x1024xf32>,
        %get3A_883 = arith.index_cast %get3A_793 : i32 to index
        %get3A_884 = arith.constant 0 : index
        %get3A_885 = vector.load %arg31[%get3A_883, %get3A_884] : memref<64x64xf32, #tpu.memory_space<vmem>>, vector<1x64xf32>
        %swap3A_886 = arith.index_cast %add3A_875 : i32 to index
        %swap3A_887 = arith.constant 0 : index
        %swap3A_888 = vector.load %arg32[%swap3A_886, %swap3A_887] : memref<64x64xf32, #tpu.memory_space<vmem>>, vector<1x64xf32>
        tpu.vector_store %arg32[%swap3A_886, %swap3A_887], %get3A_885 {strides = array<i32>} : memref<64x64xf32, #tpu.memory_space<vmem>>, vector<1x64xf32>,
      } else {
      }
    }
    %get3A_674 = arith.constant 0 : index
    %get3A_675 = arith.constant 0 : index
    %get3A_676 = vector.load %arg28[%get3A_674, %get3A_675] : memref<64x1024xf32, #tpu.memory_space<vmem>>, vector<64x1024xf32>
    %reduce_max3A = arith.constant dense<0xFF800000> : vector<1024xf32>
    %reduce_max3A_677 = vector.multi_reduction <maximumf>, %get3A_676, %reduce_max3A [0] : vector<64x1024xf32> to vector<1024xf32>
    %broadcast_in_dim3A_678 = vector.shape_cast %reduce_max3A_677 : vector<1024xf32> to vector<1x1024xf32>
    %gt3A = arith.constant -5.000000e+29 : f32
    %gt3A_679 = vector.broadcast %gt3A : f32 to vector<1x1024xf32>
    %gt3A_680 = arith.cmpf ogt, %broadcast_in_dim3A_678, %gt3A_679 : vector<1x1024xf32>
    %jit3A_681 = arith.constant 0.000000e+00 : f32
    %broadcast_in_dim3A_682 = vector.broadcast %jit3A_681 : f32 to vector<1x1024xf32>
    %select_n3A_683 = arith.select %gt3A_680, %broadcast_in_dim3A_678, %broadcast_in_dim3A_682 : vector<1x1024xi1>, vector<1x1024xf32>
    %sub3A_684 = vector.broadcast %select_n3A_683 : vector<1x1024xf32> to vector<64x1024xf32>
    %sub3A_685 = arith.subf %get3A_676, %sub3A_684 : vector<64x1024xf32>
    %exp3A = math.exp %sub3A_685 : vector<64x1024xf32>
    %reduce_sum3A = arith.constant dense<0.000000e+00> : vector<1024xf32>
    %reduce_sum3A_686 = vector.multi_reduction <add>, %exp3A, %reduce_sum3A [0] : vector<64x1024xf32> to vector<1024xf32>
    %broadcast_in_dim3A_687 = vector.shape_cast %reduce_sum3A_686 : vector<1024xf32> to vector<1x1024xf32>
    %get3A_688 = arith.constant 0 : index
    %get3A_689 = arith.constant 0 : index
    %get3A_690 = vector.load %arg32[%get3A_688, %get3A_689] : memref<64x64xf32, #tpu.memory_space<vmem>>, vector<64x64xf32>
    %dot_general3A_691 = arith.constant dense<0.000000e+00> : vector<64x1024xf32>
    %dot_general3A_692 = tpu.matmul %get3A_690, %exp3A, %dot_general3A_691 {dimension_numbers = #tpu.dot_dimension_numbers<[0], [0], [1], [1], [0, 1, 1, 1], [], []>, transpose_lhs_hint = false} : vector<64x64xf32>, vector<64x1024xf32>, vector<64x1024xf32> -> vector<64x1024xf32>
    %max3A_693 = arith.constant 1.000000e-30 : f32
    %max3A_694 = vector.broadcast %max3A_693 : f32 to vector<1x1024xf32>
    %max3A_695 = arith.maximumf %broadcast_in_dim3A_687, %max3A_694 : vector<1x1024xf32>
    %div3A_696 = vector.broadcast %max3A_695 : vector<1x1024xf32> to vector<64x1024xf32>
    %div3A_697 = arith.divf %dot_general3A_692, %div3A_696 : vector<64x1024xf32>
    %swap3A_698 = arith.constant 0 : index
    %swap3A_699 = arith.constant 0 : index
    %swap3A_700 = arith.constant 0 : index
    %swap3A_701 = vector.load %arg26[%swap3A_698, %swap3A_699, %swap3A_700] : memref<1x64x1024xf32, #tpu.memory_space<vmem>>, vector<1x64x1024xf32>
    %swap3A_702 = vector.shape_cast %swap3A_701 : vector<1x64x1024xf32> to vector<64x1024xf32>
    %swap3A_703 = vector.shape_cast %div3A_697 : vector<64x1024xf32> to vector<1x64x1024xf32>
    tpu.vector_store %arg26[%swap3A_698, %swap3A_699, %swap3A_700], %swap3A_703 {strides = array<i32>} : memref<1x64x1024xf32, #tpu.memory_space<vmem>>, vector<1x64x1024xf32>,
    %gt3A_704 = arith.constant 5.000000e-01 : f32
    %gt3A_705 = vector.broadcast %gt3A_704 : f32 to vector<1x1024xf32>
    %gt3A_706 = arith.cmpf ogt, %broadcast_in_dim3A_687, %gt3A_705 : vector<1x1024xf32>
    %convert_element_type3A_707 = arith.extui %gt3A_706 : vector<1x1024xi1> to vector<1x1024xi32>
    %convert_element_type3A_708 = arith.sitofp %convert_element_type3A_707 : vector<1x1024xi32> to vector<1x1024xf32>
    %swap3A_709 = arith.constant 0 : index
    %swap3A_710 = arith.constant 0 : index
    %swap3A_711 = arith.constant 0 : index
    %swap3A_712 = vector.load %arg27[%swap3A_709, %swap3A_710, %swap3A_711] : memref<1x1x1024xf32, #tpu.memory_space<vmem>>, vector<1x1x1024xf32>
    %swap3A_713 = vector.shape_cast %swap3A_712 : vector<1x1x1024xf32> to vector<1x1024xf32>
    %swap3A_714 = vector.shape_cast %convert_element_type3A_708 : vector<1x1024xf32> to vector<1x1x1024xf32>
    tpu.vector_store %arg27[%swap3A_709, %swap3A_710, %swap3A_711], %swap3A_714 {strides = array<i32>} : memref<1x1x1024xf32, #tpu.memory_space<vmem>>, vector<1x1x1024xf32>,
    return
  }
  func.func @transform_0(%arg0: i32, %arg1: i32) -> (i32, i32, i32) {
    %c0_i32 = arith.constant 0 : i32
    %c0_i32_0 = arith.constant 0 : i32
    %c0_i32_1 = arith.constant 0 : i32
    return %arg0, %c0_i32, %c0_i32_0 : i32, i32, i32
  }
  func.func @transform_1(%arg0: i32, %arg1: i32) -> (i32, i32, i32) {
    %c0_i32 = arith.constant 0 : i32
    %c0_i32_0 = arith.constant 0 : i32
    %c0_i32_1 = arith.constant 0 : i32
    return %arg0, %c0_i32, %c0_i32_0 : i32, i32, i32
  }
  func.func @transform_2(%arg0: i32, %arg1: i32) -> (i32, i32, i32) {
    %c0_i32 = arith.constant 0 : i32
    %c0_i32_0 = arith.constant 0 : i32
    return %arg0, %c0_i32, %arg1 : i32, i32, i32
  }
  func.func @transform_3(%arg0: i32, %arg1: i32) -> (i32, i32) {
    %c0_i32 = arith.constant 0 : i32
    %c0_i32_0 = arith.constant 0 : i32
    %c0_i32_1 = arith.constant 0 : i32
    return %c0_i32, %c0_i32_0 : i32, i32
  }
  func.func @transform_4(%arg0: i32, %arg1: i32) -> (i32, i32, i32) {
    %c0_i32 = arith.constant 0 : i32
    %c0_i32_0 = arith.constant 0 : i32
    return %arg0, %c0_i32, %arg1 : i32, i32, i32
  }
  func.func @transform_5(%arg0: i32, %arg1: i32) -> (i32, i32, i32) {
    %c0_i32 = arith.constant 0 : i32
    %c0_i32_0 = arith.constant 0 : i32
    return %arg0, %c0_i32, %arg1 : i32, i32, i32
  }
  func.func @transform_6(%arg0: i32, %arg1: i32) -> (i32, i32, i32) {
    %c0_i32 = arith.constant 0 : i32
    %c0_i32_0 = arith.constant 0 : i32
    %c0_i32_1 = arith.constant 0 : i32
    return %arg0, %c0_i32, %c0_i32_0 : i32, i32, i32
  }
  func.func @transform_7(%arg0: i32, %arg1: i32) -> (i32, i32, i32) {
    %c0_i32 = arith.constant 0 : i32
    %c0_i32_0 = arith.constant 0 : i32
    %c0_i32_1 = arith.constant 0 : i32
    return %arg0, %c0_i32, %c0_i32_0 : i32, i32, i32
  }
  func.func @transform_8(%arg0: i32, %arg1: i32) -> (i32, i32, i32) {
    %c0_i32 = arith.constant 0 : i32
    %c0_i32_0 = arith.constant 0 : i32
    %c0_i32_1 = arith.constant 0 : i32
    return %arg0, %c0_i32, %c0_i32_0 : i32, i32, i32
  }
  func.func @transform_9(%arg0: i32, %arg1: i32) -> (i32, i32) {
    %c0_i32 = arith.constant 0 : i32
    %c0_i32_0 = arith.constant 0 : i32
    %c0_i32_1 = arith.constant 0 : i32
    return %c0_i32, %c0_i32_0 : i32, i32
  }
  func.func @transform_10(%arg0: i32, %arg1: i32) -> (i32, i32) {
    %c0_i32 = arith.constant 0 : i32
    %c0_i32_0 = arith.constant 0 : i32
    %c0_i32_1 = arith.constant 0 : i32
    return %c0_i32, %c0_i32_0 : i32, i32
  }
  func.func @transform_11(%arg0: i32, %arg1: i32) -> (i32, i32) {
    %c0_i32 = arith.constant 0 : i32
    %c0_i32_0 = arith.constant 0 : i32
    %c0_i32_1 = arith.constant 0 : i32
    return %c0_i32, %c0_i32_0 : i32, i32
  }
  func.func @transform_12(%arg0: i32, %arg1: i32) -> (i32, i32) {
    %c0_i32 = arith.constant 0 : i32
    %c0_i32_0 = arith.constant 0 : i32
    %c0_i32_1 = arith.constant 0 : i32
    return %c0_i32, %c0_i32_0 : i32, i32
  }
  func.func @transform_13(%arg0: i32, %arg1: i32) -> (i32, i32) {
    %c0_i32 = arith.constant 0 : i32
    %c0_i32_0 = arith.constant 0 : i32
    %c0_i32_1 = arith.constant 0 : i32
    return %c0_i32, %c0_i32_0 : i32, i32
  }
  func.func @transform_14(%arg0: i32, %arg1: i32) -> (i32, i32) {
    %c0_i32 = arith.constant 0 : i32
    %c0_i32_0 = arith.constant 0 : i32
    %c0_i32_1 = arith.constant 0 : i32
    return %c0_i32, %c0_i32_0 : i32, i32
  }
  func.func @transform_15(%arg0: i32, %arg1: i32) -> (i32, i32) {
    %c0_i32 = arith.constant 0 : i32
    %c0_i32_0 = arith.constant 0 : i32
    %c0_i32_1 = arith.constant 0 : i32
    return %c0_i32, %c0_i32_0 : i32, i32
  }
  func.func @transform_16(%arg0: i32, %arg1: i32) -> (i32, i32) {
    %c0_i32 = arith.constant 0 : i32
    %c0_i32_0 = arith.constant 0 : i32
    %c0_i32_1 = arith.constant 0 : i32
    return %c0_i32, %c0_i32_0 : i32, i32
  }
  func.func @transform_17(%arg0: i32, %arg1: i32) -> (i32, i32) {
    %c0_i32 = arith.constant 0 : i32
    %c0_i32_0 = arith.constant 0 : i32
    %c0_i32_1 = arith.constant 0 : i32
    return %c0_i32, %c0_i32_0 : i32, i32
  }
  func.func @transform_18(%arg0: i32, %arg1: i32) -> (i32, i32) {
    %c0_i32 = arith.constant 0 : i32
    %c0_i32_0 = arith.constant 0 : i32
    %c0_i32_1 = arith.constant 0 : i32
    return %c0_i32, %c0_i32_0 : i32, i32
  }
  func.func @transform_19(%arg0: i32, %arg1: i32) -> (i32, i32) {
    %c0_i32 = arith.constant 0 : i32
    %c0_i32_0 = arith.constant 0 : i32
    %c0_i32_1 = arith.constant 0 : i32
    return %c0_i32, %c0_i32_0 : i32, i32
  }
  func.func @transform_20(%arg0: i32, %arg1: i32) -> (i32, i32) {
    %c0_i32 = arith.constant 0 : i32
    %c0_i32_0 = arith.constant 0 : i32
    %c0_i32_1 = arith.constant 0 : i32
    return %c0_i32, %c0_i32_0 : i32, i32
  }
  func.func @transform_21(%arg0: i32, %arg1: i32) -> (i32, i32) {
    %c0_i32 = arith.constant 0 : i32
    %c0_i32_0 = arith.constant 0 : i32
    %c0_i32_1 = arith.constant 0 : i32
    return %c0_i32, %c0_i32_0 : i32, i32
  }
  func.func @transform_22(%arg0: i32, %arg1: i32) -> (i32, i32) {
    %c0_i32 = arith.constant 0 : i32
    %c0_i32_0 = arith.constant 0 : i32
    %c0_i32_1 = arith.constant 0 : i32
    return %c0_i32, %c0_i32_0 : i32, i32
  }
  func.func @transform_23(%arg0: i32, %arg1: i32) -> (i32, i32) {
    %c0_i32 = arith.constant 0 : i32
    %c0_i32_0 = arith.constant 0 : i32
    %c0_i32_1 = arith.constant 0 : i32
    return %c0_i32, %c0_i32_0 : i32, i32
  }
  func.func @transform_24(%arg0: i32, %arg1: i32) -> (i32, i32, i32) {
    %c0_i32 = arith.constant 0 : i32
    %c0_i32_0 = arith.constant 0 : i32
    return %arg0, %c0_i32, %arg1 : i32, i32, i32
  }
  func.func @transform_25(%arg0: i32, %arg1: i32) -> (i32, i32, i32) {
    %c0_i32 = arith.constant 0 : i32
    %c0_i32_0 = arith.constant 0 : i32
    return %arg0, %c0_i32, %arg1 : i32, i32, i32
  }
}

</mosaic_0001>

<sc_bundles>
// kernel: kernel.4.cloned.1.call-start
scs
__scs_entry_jumppad:
0x0: {  	(pc) =	sbr.rel $0x88, $3  }
0x1: {  	(tag) =	ssettag $0x0;
	lr =	simm.s32 $0x1  }
0x2: {  	[smem:$0x3F8B] =	sst lr;
	_ =	strace $0xD0000000  }
0x3: {  	_ = 	snop  }
0x4: {  	_ = 	snop  }
0x5: {  	_ = 	snop  }
0x6: {  	_ = 	snop  }
0x7: {  	_ = 	snop  }
__scs_overlays_trampoline_lowered:
0x8: {  	[smem:$0x3F9A] =	sst s0  }
0x9: {  	[smem:$0x3F9B] =	sst s1  }
0xa: {  	[smem:$0x3F9C] =	sst s2  }
0xb: {  	[smem:$0x3F9D] =	sst s3  }
0xc: {  	[smem:$0x3F9E] =	sst s4  }
0xd: {  	[smem:$0x3F9F] =	sst s5  }
0xe: {  	[smem:$0x3FA0] =	sst s6  }
0xf: {  	[smem:$0x3FA1] =	sst s7  }
0x10: {  	[smem:$0x3FA2] =	sst s8  }
0x11: {  	[smem:$0x3FA3] =	sst s9;
	s0 =	simm.s32 @!p0 $0x0  }
0x12: {  	s1 =	sld [smem:$0x3F89];
	s0 =	simm.s32 @p0 $0x1  }
0x13: {  	[smem:$0x3FA4] =	sst s0;
	s0 =	simm.s32 @!p1 $0x0  }
0x14: {  	s2 =	sld [smem:$0x3F88];
	s0 =	simm.s32 @p1 $0x1  }
0x15: {  	[smem:$0x3FA5] =	sst s0;
	s0 =	simm.s32 @!p2 $0x0  }
0x16: {  	s3 =	sld [smem:$0x3FDB];
	s0 =	simm.s32 @p2 $0x1  }
0x17: {  	s4 =	simm.s32 $0x1BF5;
	[smem:$0x3FA7] =	sst s0  }
0x18: {  	s0 =	sld [smem:$0x3F8A];
	_ =	swait.ge [sflag:s4], $0x0  }
0x19: {  	s7 =	sld [smem:$0x3F8B]  }
0x1a: {  	s8 =	sadd.s32 $0xFFFFE003, lr  }
0x1b: {  	s9 =	sadd.s32 $0xFFFFFEF7, lr;
	s5 =	simm.s32 $0xFFFFFFFF;
	p2 =	slt.u32 s8, $0xFFFFF086  }
0x1c: {  	p1 =	slt.u32 s9, $0xF7A;
	s5 =	simm.s32 @!p2 $0x0  }
0x1d: {  	s5 =	simm.s32 @p1 $0x1;
	p0 =	seq.s32 s7, s2  }
0x1e: {  	s7 =	smul.u32 @!p0 $0xF7A, s2;
	p2 =	seq.s32 @!p0 s5, $0x0  }
0x1f: {  	s9 =	smul.u32 $0xF7A, s1;
	s8 =	simm.s32 @!p0 $0x1BF5;
	p2 =	por !p2, p0  }
0x20: {  	[sflag:s8] =	ssyncset.s32 @!p0 $0xFFFFF086;
	s6 =	sadd.s32 @!p0 s3, s7;
	s7 =	simm.s32 @!p0 $0x108  }
0x21: {  	s3 =	sadd.s32 s3, s9;
	s6 =	sadd.s32 @!p0 $0x88, s6;
	s7 =	simm.s32 @p2 $0x1082  }
0x22: {  	[simem:s7], [sflag:s8] =	dma.local @!p0 [hbm:s6], $0xF7A  }
0x23: {  	s9 =	sor.u32 $0xD0000000, s2;
	s6 =	simm.s32 $0x108;
	_ =	swait.ge @!p0 [sflag:s8], $0x0  }
0x24: {  	s3 =	sadd.s32 $0x88, s3;
	s6 =	simm.s32 @!p1 $0x1082;
	[sflag:s4] =	ssyncset.s32 $0xFFFFF086  }
0x25: {  	[simem:s6], [sflag:s4] =	dma.local [hbm:s3], $0xF7A  }
0x26: {  	[smem:$0x3F8B] =	sst s1;
	(tag) =	ssettag s2;
	_ =	strace s9  }
0x27: {  	s1 =	sld [smem:$0x3F9B]  }
0x28: {  	s2 =	sld [smem:$0x3F9C]  }
0x29: {  	s4 =	sld [smem:$0x3F9E]  }
0x2a: {  	p0 =	seq.s32 s5, $0x0;
	s5 =	sld [smem:$0x3F9F]  }
0x2b: {  	s6 =	sld [smem:$0x3FA0]  }
0x2c: {  	s7 =	sld [smem:$0x3FA1]  }
0x2d: {  	s3 =	simm.s32 $0x108;
	s8 =	sld [smem:$0x3FA2]  }
0x2e: {  	s3 =	simm.s32 @!p0 $0x1082;
	s9 =	sld [smem:$0x3FA3]  }
0x2f: {  	lr =	sadd.s32 s0, s3;
	s0 =	sld [smem:$0x3F9A]  }
0x30: {  	s3 =	sld [smem:$0x3F9D]  }
0x31: {  	[smem:$0x3FA6] =	sst s10  }
0x32: {  	s10 =	sld [smem:$0x3FA4];
	_ =	sdelay $0x3  }
0x33: {  	p0 =	seq.s32 s10, $0x1;
	s10 =	sld [smem:$0x3FA6];
	_ =	sdelay $0x3  }
0x34: {  	[smem:$0x3FA6] =	sst s10  }
0x35: {  	s10 =	sld [smem:$0x3FA5];
	_ =	sdelay $0x3  }
0x36: {  	p1 =	seq.s32 s10, $0x1;
	s10 =	sld [smem:$0x3FA6];
	_ =	sdelay $0x3  }
0x37: {  	[smem:$0x3FA6] =	sst s10  }
0x38: {  	s10 =	sld [smem:$0x3FA7]  }
0x39: {  	_ = 	snop;
	(pc) =	sbr.ind lr, $3  }
0x3a: {  	_ = 	snop  }
0x3b: {  	_ = 	snop  }
0x3c: {  	p2 =	seq.s32 s10, $0x1;
	s10 =	sld [smem:$0x3FA6]  }
0x3d: {  	_ =	shalt  }
0x3e: {  	_ =	shalt  }
0x3f: {  	_ =	shalt  }
0x40: {  	_ =	shalt  }
0x41: {  	_ =	shalt  }
0x42: {  	_ =	shalt  }
0x43: {  	_ =	shalt  }
0x44: {  	_ =	shalt  }
0x45: {  	_ =	shalt  }
0x46: {  	_ =	shalt  }
0x47: {  	_ =	shalt  }
0x48: {  	_ =	shalt  }
0x49: {  	_ =	shalt  }
0x4a: {  	_ =	shalt  }
0x4b: {  	_ =	shalt  }
0x4c: {  	_ =	shalt  }
0x4d: {  	_ =	shalt  }
0x4e: {  	_ =	shalt  }
0x4f: {  	_ =	shalt  }
0x50: {  	_ =	shalt  }
0x51: {  	_ =	shalt  }
0x52: {  	_ =	shalt  }
0x53: {  	_ =	shalt  }
0x54: {  	_ =	shalt  }
0x55: {  	_ =	shalt  }
0x56: {  	_ =	shalt  }
0x57: {  	_ =	shalt  }
0x58: {  	_ =	shalt  }
0x59: {  	_ =	shalt  }
0x5a: {  	_ =	shalt  }
0x5b: {  	_ =	shalt  }
0x5c: {  	_ =	shalt  }
0x5d: {  	_ =	shalt  }
0x5e: {  	_ =	shalt  }
0x5f: {  	_ =	shalt  }
0x60: {  	_ =	shalt  }
0x61: {  	_ =	shalt  }
0x62: {  	_ =	shalt  }
0x63: {  	_ =	shalt  }
0x64: {  	_ =	shalt  }
0x65: {  	_ =	shalt  }
0x66: {  	_ =	shalt  }
0x67: {  	_ =	shalt  }
0x68: {  	_ =	shalt  }
0x69: {  	_ =	shalt  }
0x6a: {  	_ =	shalt  }
0x6b: {  	_ =	shalt  }
0x6c: {  	_ =	shalt  }
0x6d: {  	_ =	shalt  }
0x6e: {  	_ =	shalt  }
0x6f: {  	_ =	shalt  }
0x70: {  	_ =	shalt  }
0x71: {  	_ =	shalt  }
0x72: {  	_ =	shalt  }
0x73: {  	_ =	shalt  }
0x74: {  	_ =	shalt  }
0x75: {  	_ =	shalt  }
0x76: {  	_ =	shalt  }
0x77: {  	_ =	shalt  }
0x78: {  	_ =	shalt  }
0x79: {  	_ =	shalt  }
0x7a: {  	_ =	shalt  }
0x7b: {  	_ =	shalt  }
0x7c: {  	_ =	shalt  }
0x7d: {  	_ =	shalt  }
0x7e: {  	_ =	shalt  }
0x7f: {  	_ =	shalt  }
0x80: {  	_ =	shalt  }
0x81: {  	_ =	shalt  }
0x82: {  	_ =	shalt  }
0x83: {  	_ =	shalt  }
0x84: {  	_ =	shalt  }
0x85: {  	_ =	shalt  }
0x86: {  	_ =	shalt  }
0x87: {  	_ =	shalt  }
.Lfunc_end0:
.L_simem_size_0:
called_computation_lowered:
.L_overlay_start_0:
0x88: {  	s2 =	sld [smem:$0x3FD9]  }
0x89: {  	s3 =	sld [smem:$0x3FFE];
	_ =	sdelay $0x1  }
0x8a: {  	s1 =	srdreg.scid  }
0x8b: {  	s0 =	sand.u32 $0x1, s1  }
0x8c: {  	s15 =	sshll.u32 s0, $0xA;
	s2 =	sadd.s32 s3, s2  }
0x8d: {  	s2 =	sadd.s32 s2, s15  }
0x8e: {  	[smem:$0x3FB2] =	sst s2  }
0x8f: {  	_ = 	snop  }
0x90: {  	s2 =	sld [smem:$0x3FD0];
	_ =	sdelay $0x2  }
0x91: {  	s4 =	simm.s32 $0xA;
	s5 =	simm.s32 $0x10;
	s16 =	sld [smem:$0x3FC8]  }
0x92: {  	[smem:s5], [sflag:s4] =	dma.local [hbm:s2], $0x1  }
0x93: {  	_ =	swait.eq [sflag:s4], $0x1  }
0x94: {  	[sflag:s4] =	ssyncset.done $0x0  }
0x95: {  	s17 =	sld [smem:$0x10];
	[sflag:s4] =	ssyncadd.s32 $0xFFFFFFFF  }
0x96: {  	s18 =	sld [smem:$0x11];
	(tm) =	ssettm $0x1  }
0x97: {  	s19 =	sld [smem:$0x3FFB];
	_ =	sdelay $0x3  }
0x98: {  	_ =	strace s19  }
0x99: {  	s5 =	sld [smem:$0x3FFC];
	_ =	sdelay $0x3  }
0x9a: {  	_ =	strace s5  }
0x9b: {  	s5 =	sld [smem:$0x3FFD];
	_ =	sdelay $0x3  }
0x9c: {  	_ =	strace s5  }
0x9d: {  	_ =	strace $0x8FFFFFFF  }
0x9e: {  	s20 =	sld [smem:$0x3FDB];
	_ =	sdelay $0x1  }
0x9f: {  	s6 =	simm.s32 $_scs_section_size  }
0xa0: {  	s7 =	simm.s32 $_size__tile_overlayer_lowered;
	s8 =	simm.s32 $_tile_overlayer_lowered  }
0xa1: {  	s23 =	simm.s32 $0x1BFF;
	s22 =	sshll.u32 s8, $0x1;
	s5 =	sadd.s32 s6, s20  }
0xa2: {  	s9 =	simm.s32 $0x0;
	s21 =	sshll.u32 s7, $0x1;
	s7 =	sadd.s32 s22, s5  }
0xa3: {  	[timem:s9], [sflag:s23] =	dma.local [hbm:s7], s21  }
0xa4: {  	_ =	swait.ge [sflag:s23], s21  }
0xa5: {  	s6 =	ssub.s32 $0x0, s21;
	[sflag:s23] =	ssyncset.done $0x0  }
0xa6: {  	[sflag:s23] =	ssyncadd.s32 s6;
	_ =	sdelay $0x1  }
0xa7: {  	s24 =	simm.s32 $0x1B8B  }
0xa8: {  	_ =	swait.ge [sflag:s24], $0x1  }
0xa9: {  	[sflag:s24] =	ssyncset.done $0x0  }
0xaa: {  	s25 =	simm.s32 $0x1B8E;
	[sflag:s24] =	ssyncadd.s32 $0xFFFFFFFF  }
0xab: {  	s26 =	simm.s32 $execute0_lowered;
	[smem:$0x3FD2] =	sst s25  }
0xac: {  	s6 =	sshll.u32 s26, $0x1;
	_ =	strace $0x80000046;
	[dreg:$0x1] =	wrdreg $0xFFFFFFFF  }
0xad: {  	s28 =	simm.s32 $_size_execute0_lowered;
	s5 =	sadd.s32 s5, s6;
	[dreg:$0x0] =	wrdreg $0x0  }
0xae: {  	s6 =	sshll.u32 s28, $0x1;
	[dreg:$0x2] =	wrdreg s5  }
0xaf: {  	[dreg:$0x3] =	wrdreg s6  }
0xb0: {  	[dreg:$0x4] =	wrdreg $0xC0  }
0xb1: {  	_ =	task [dreg:s9], $0x5FFFF  }
0xb2: {  	[dreg:$0x1] =	wrdreg $0xFFFFFFFF  }
0xb3: {  	[dreg:$0x0] =	wrdreg $0x60  }
0xb4: {  	[dreg:$0x2] =	wrdreg s16  }
0xb5: {  	[dreg:$0x3] =	wrdreg s17  }
0xb6: {  	[dreg:$0x4] =	wrdreg s18  }
0xb7: {  	[dreg:$0x5] =	wrdreg $0x9  }
0xb8: {  	_ =	task.clear_ibuf [dreg:s9], $0x6FFFF;
	_ =	strace $0x90000046  }
0xb9: {  	s29 =	simm.s32 $0x9;
	_ =	strace $0x80000048  }
0xba: {  	_ =	swait.ge [sflag:s29], $0x1  }
0xbb: {  	[sflag:s29] =	ssyncadd.s32 $0xFFFFFFFF  }
0xbc: {  	_ =	strace $0x90000048  }
0xbd: {  	_ =	sfence  }
0xbe: {  	s30 =	sld [smem:$0x0];
	_ =	sdelay $0x2  }
0xbf: {  	s31 =	sshll.u32 s1, $0xD;
	s1 =	sshrl.u32 s1, $0x2  }
0xc0: {  	s3 =	sand.u32 $0x4000, s31;
	s1 =	sadd.s32 s1, s30  }
0xc1: {  	s0 =	sor.u32 s3, s0;
	s1 =	sshll.u32 s1, $0x11  }
0xc2: {  	s0 =	sor.u32 s1, s0  }
0xc3: {  	s0 =	sadd.s32 $0x8F2B, s0  }
0xc4: {  	[sflag:s0] =	ssyncadd.remote.s32 $0x1  }
0xc5: {  	_ =	sfence.sel $0xFFFF  }
0xc6: {  	[dreg:$0x0] =	wrdreg $0xFFFFFFFF;
	(pc) =	sbr.abs _section_cstart, $3  }
0xc7: {  	[dreg:$0x1] =	wrdreg $0xFFFFFFFF  }
0xc8: {  	_ =	task.clear_ibuf [dreg:s9], $0x2FFFF;
	_ =	strace $0x9FFFFFFF  }
0xc9: {  	(tm) =	ssettm $0x7FFFFFFF  }
tec
execute0_lowered:
.L_overlay_start_1:
0x0: {  	(tag) =	ssettag $0x1  }
0x1: {  	s3 =	rddreg [dreg:$0x0]  }
0x2: {  	s4 =	rddreg [dreg:$0x1]  }
0x3: {  	s0 =	srdreg.scid;
	s5 =	rddreg [dreg:$0x2];
	s2 =	simm.s32 $0x0  }
0x4: {  	s1 =	stileid.u32;
	p0 =	por $0x0, $0x0;
	s6 =	sand.u32 $0x1, s0  }
0x5: {  	s0 =	rddreg [dreg:$0x3];
	s9 =	sshll.u32 s1, $0x2;
	s10 =	sshrl.u32 s1, $0x2  }
0x6: {  	s24 =	sshll.u32 s1, $0x6;
	[smem:$0x7FF] =	sst s2;
	s7 =	ssub.s32 $0x2, s6  }
0x7: {  	s6 =	sshll.u32 s6, $0x1;
	s19 =	sshll.u32 s10, $0x4;
	s20 =	sshll.u32 s10, $0x8  }
0x8: {  	s23 =	sand.u32 $0x30, s9;
	_ =	strace $0x80000047;
	s8 =	sshrl.u32 s7, $0x1  }
0x9: {  	s13 =	sor.u32 s6, s9;
	s11 =	sadd.s32 s3, s19;
	s10 =	sadd.s32 s4, s19  }
0xa: {  	s6 =	sadd.s32 s4, s23;
	s12 =	ssub.s32 s7, s8;
	s21 =	sshll.u32 s13, $0x4  }
0xb: {  	s7 =	sadd.s32 s5, s20;
	s14 =	sor.u32 $0x1, s13;
	s28 =	sshll.u32 s13, $0x3  }
0xc: {  	s22 =	sand.u32 $0xE0, s21;
	s25 =	sshll.u32 s14, $0x4;
	s4 =	sand.u32 $0x70, s28  }
0xd: {  	s30 =	sand.u32 $0xF, s14;
	s12 =	smax.u32 s12, $0x1;
	s8 =	sadd.s32 s22, s7  }
0xe: {  	s7 =	sadd.s32 s3, s23;
	s3 =	sand.u32 $0x300, s24;
	p1 =	sne.s32 s12, $0x1  }
.Ltmp0:
0xf: {  	s26 =	sand.u32 $0x80, s25;
	s9 =	sand.u32 $0x70, s25;
	(pc) =	sbr.rel @!p1 .LBB2_3-.Ltmp0, $4  }
0x10: {  	s29 =	sadd.s32 $0xFFFFFFF0, s4;
	s4 =	sadd.s32 $0x17, s4;
	s13 =	sshll.u32 s30, $0x3  }
0x11: {  	s12 =	sadd.s32 $0xFFFFFFFF, s12;
	s3 =	sor.u32 s26, s3;
	s5 =	sadd.s32 s5, s9  }
0x12: {  	v0 =	vimm.s32 $0x0;
	s31 =	sadd.s32 $0xFFFFFFF0, s13;
	s13 =	sadd.s32 $0x17, s13;
	v4 =	vmov s4;
	s4 =	simm.s32 $0x1  }
0x13: {  	v3 =	vmov s29;
	s9 =	simm.s32 $0x80;
	s3 =	sadd.s32 s3, s5;
	v2 =	vmov s31;
	v1 =	vmov s13;
	s5 =	simm.s32 $0x100  }
0x14: {  	[tilespmem:s2], [sflag:$0x1] =	stream.linear.gather [hbm4b:s11+s2], $0x80, $0x38;
	[tilespmem:$0x180] =	vst v63  }
0x15: {  	_ =	swait.ge [sflag:s4], $0x80  }
0x16: {  	[sflag:s4] =	ssyncset.done $0x0  }
0x17: {  	[sflag:s4] =	ssyncadd.s32 $0xFFFFFF80  }
0x18: {  	[tilespmem:s9], [sflag:$0x1] =	stream.linear.gather [hbm4b:s10+s2], $0x80, $0x38;
	[tilespmem:$0x180] =	vst v63  }
0x19: {  	_ =	swait.ge [sflag:s4], $0x80  }
0x1a: {  	[sflag:s4] =	ssyncset.done $0x0  }
0x1b: {  	[sflag:s4] =	ssyncadd.s32 $0xFFFFFF80  }
0x1c: {  	v5 =	vld [tilespmem:$0x90]  }
0x1d: {  	v6 =	vld [tilespmem:$0xA0]  }
0x1e: {  	v7 =	vld [tilespmem:$0xB0]  }
0x1f: {  	v8 =	vld [tilespmem:$0x10]  }
0x20: {  	v9 =	vld [tilespmem:$0x20]  }
0x21: {  	v10 =	vld [tilespmem:$0x0]  }
0x22: {  	v11 =	vld [tilespmem:$0x30]  }
0x23: {  	[tilespmem:$0x110] =	vst v0;
	v12 =	vld [tilespmem:$0x80]  }
0x24: {  	[tilespmem:$0x120] =	vst v0  }
0x25: {  	[tilespmem:$0x100] =	vst v0;
	vm0 =	vgt.s32 v6, $0x0;
	vm1 =	vge.s32 v8, v3;
	vm2 =	vgt.s32 v7, $0x0  }
0x26: {  	[tilespmem:$0x130] =	vst v0;
	vm3 =	vle.s32 v8, v4;
	vm4 =	vge.s32 v9, v3;
	vm5 =	vle.s32 v9, v4  }
0x27: {  	[tilespmem:$0x140] =	vst v0;
	vm13 =	vgt.s32 v5, $0x0;
	vm14 =	vle.s32 v10, v4;
	vm15 =	vle.s32 v11, v4  }
0x28: {  	[tilespmem:$0x150] =	vst v0;
	vm6 =	vge.s32 v10, v3;
	vm7 =	vgt.s32 v12, $0x0;
	vm1 =	vmand vm1, vm3  }
0x29: {  	[tilespmem:$0x160] =	vst v0;
	vm10 =	vge.s32 v11, v3;
	vm4 =	vmand vm4, vm5;
	vm1 =	vmand vm1, vm13  }
0x2a: {  	[tilespmem:$0x170] =	vst v0;
	vm9 =	vmand vm6, vm14;
	vm0 =	vmand vm4, vm0;
	v5 =	vsel vm1, $0x1, v0  }
0x2b: {  	vm11 =	vmand vm10, vm15;
	vm1 =	vmand vm9, vm7;
	[tilespmem:$0x110] =	vst v5;
	v5 =	vsel vm0, $0x1, v0  }
0x2c: {  	v6 =	vsel vm1, $0x1, v0;
	vm0 =	vmand vm11, vm2;
	[tilespmem:$0x120] =	vst v5  }
0x2d: {  	[tilespmem:$0x100] =	vst v6;
	v5 =	vsel vm0, $0x1, v0  }
0x2e: {  	[tilespmem:$0x130] =	vst v5  }
0x2f: {  	[hbm4b:s8+s2] =	stream.linear.scatter [tilespmem:s5], [sflag:$0x1], $0x80, $0x38;
	[tilespmem:$0x180] =	vst v63  }
0x30: {  	_ =	swait.ge [sflag:s4], $0x80  }
0x31: {  	[sflag:s4] =	ssyncset.done $0x0  }
0x32: {  	[sflag:s4] =	ssyncadd.s32 $0xFFFFFF80  }
0x33: {  	[tilespmem:s2], [sflag:$0x1] =	stream.linear.gather [hbm4b:s7+s2], $0x80, $0x38;
	[tilespmem:$0x180] =	vst v63  }
0x34: {  	_ =	swait.ge [sflag:s4], $0x80  }
0x35: {  	[sflag:s4] =	ssyncset.done $0x0  }
0x36: {  	[sflag:s4] =	ssyncadd.s32 $0xFFFFFF80  }
0x37: {  	[tilespmem:s9], [sflag:$0x1] =	stream.linear.gather [hbm4b:s6+s2], $0x80, $0x38;
	[tilespmem:$0x180] =	vst v63  }
0x38: {  	_ =	swait.ge [sflag:s4], $0x80  }
0x39: {  	[sflag:s4] =	ssyncset.done $0x0  }
0x3a: {  	[sflag:s4] =	ssyncadd.s32 $0xFFFFFF80  }
0x3b: {  	v5 =	vld [tilespmem:$0x0]  }
0x3c: {  	v6 =	vld [tilespmem:$0x80]  }
0x3d: {  	v7 =	vld [tilespmem:$0x20]  }
0x3e: {  	v60 =	vld [tilespmem:$0xA0]  }
0x3f: {  	v62 =	vld [tilespmem:$0x10]  }
0x40: {  	v61 =	vld [tilespmem:$0x90];
	[tilespmem:$0x120] =	vst v0  }
0x41: {  	[tilespmem:$0x100] =	vst v0  }
0x42: {  	[tilespmem:$0x110] =	vst v0;
	vm12 =	vge.s32 v5, v2;
	vm13 =	vle.s32 v5, v1;
	v5 =	vld [tilespmem:$0x30];
	vm14 =	vgt.s32 v6, $0x0  }
0x43: {  	[tilespmem:$0x130] =	vst v0;
	vm15 =	vge.s32 v7, v2;
	vm6 =	vle.s32 v7, v1;
	v6 =	vld [tilespmem:$0xB0];
	vm8 =	vgt.s32 v60, $0x0  }
0x44: {  	[tilespmem:$0x140] =	vst v0;
	vm9 =	vge.s32 v62, v2;
	vm0 =	vmand vm12, vm13;
	vm7 =	vmand vm15, vm6  }
0x45: {  	[tilespmem:$0x150] =	vst v0;
	vm10 =	vgt.s32 v61, $0x0;
	vm0 =	vmand vm0, vm14;
	vm1 =	vmand vm7, vm8  }
0x46: {  	[tilespmem:$0x160] =	vst v0;
	vm11 =	vle.s32 v62, v1;
	v7 =	vsel vm1, $0x1, v0;
	v63 =	vsel vm0, $0x1, v0  }
0x47: {  	[tilespmem:$0x170] =	vst v0;
	vm0 =	vmand vm9, vm11;
	vm12 =	vge.s32 v5, v2;
	vm13 =	vle.s32 v5, v1  }
0x48: {  	p1 =	sne.s32 s12, $0x1;
	[tilespmem:$0x120] =	vst v7;
	vm0 =	vmand vm0, vm10;
	vm14 =	vgt.s32 v6, $0x0;
	vm1 =	vmand vm12, vm13  }
.Ltmp1:
0x49: {  	[tilespmem:$0x100] =	vst v63;
	v5 =	vsel vm0, $0x1, v0;
	vm15 =	vmand vm1, vm14;
	(pc) =	sbr.rel @!p1 .LBB2_3-.Ltmp1, $4  }
0x4a: {  	[tilespmem:$0x110] =	vst v5;
	v5 =	vsel vm15, $0x1, v0  }
0x4b: {  	[tilespmem:$0x130] =	vst v5  }
0x4c: {  	[hbm4b:s3+s2] =	stream.linear.scatter [tilespmem:s5], [sflag:$0x1], $0x80, $0x38;
	[tilespmem:$0x180] =	vst v63  }
0x4d: {  	s12 =	sadd.s32 $0xFFFFFFFF, s12;
	p0 =	por $0x1, $0x1;
	_ =	swait.ge [sflag:s4], $0x80  }
.LBB2_2:
0x4e: {  	p1 =	sne.s32 s12, $0x1;
	s12 =	sadd.s32 $0xFFFFFFFF, s12;
	[sflag:s4] =	ssyncset.done $0x0  }
0x4f: {  	[sflag:s4] =	ssyncadd.s32 $0xFFFFFF80  }
0x50: {  	[tilespmem:s2], [sflag:$0x1] =	stream.linear.gather [hbm4b:s11+s2], $0x80, $0x38;
	[tilespmem:$0x180] =	vst v63  }
0x51: {  	_ =	swait.ge [sflag:s4], $0x80  }
0x52: {  	[sflag:s4] =	ssyncset.done $0x0  }
0x53: {  	[sflag:s4] =	ssyncadd.s32 $0xFFFFFF80  }
0x54: {  	[tilespmem:s9], [sflag:$0x1] =	stream.linear.gather [hbm4b:s10+s2], $0x80, $0x38;
	[tilespmem:$0x180] =	vst v63  }
0x55: {  	_ =	swait.ge [sflag:s4], $0x80  }
0x56: {  	[sflag:s4] =	ssyncset.done $0x0  }
0x57: {  	[sflag:s4] =	ssyncadd.s32 $0xFFFFFF80  }
0x58: {  	[tilespmem:$0x110] =	vst v0;
	v5 =	vld [tilespmem:$0x90]  }
0x59: {  	[tilespmem:$0x120] =	vst v0;
	v6 =	vld [tilespmem:$0xA0]  }
0x5a: {  	[tilespmem:$0x100] =	vst v0;
	v7 =	vld [tilespmem:$0xB0]  }
0x5b: {  	[tilespmem:$0x130] =	vst v0;
	v8 =	vld [tilespmem:$0x10]  }
0x5c: {  	[tilespmem:$0x140] =	vst v0;
	v9 =	vld [tilespmem:$0x20]  }
0x5d: {  	[tilespmem:$0x150] =	vst v0;
	v10 =	vld [tilespmem:$0x0]  }
0x5e: {  	[tilespmem:$0x160] =	vst v0;
	v11 =	vld [tilespmem:$0x30]  }
0x5f: {  	vm0 =	vgt.s32 v6, $0x0;
	[tilespmem:$0x170] =	vst v0;
	v12 =	vld [tilespmem:$0x80]  }
0x60: {  	vm2 =	vgt.s32 v7, $0x0;
	vm1 =	vge.s32 v8, v3  }
0x61: {  	vm3 =	vle.s32 v8, v4;
	vm4 =	vge.s32 v9, v3;
	vm5 =	vle.s32 v9, v4  }
0x62: {  	vm1 =	vmand vm1, vm3;
	vm3 =	vgt.s32 v5, $0x0;
	vm4 =	vmand vm4, vm5  }
0x63: {  	vm5 =	vle.s32 v10, v4;
	vm1 =	vmand vm1, vm3;
	vm3 =	vle.s32 v11, v4  }
0x64: {  	vm6 =	vge.s32 v10, v3;
	v5 =	vsel vm1, $0x1, v0;
	vm7 =	vgt.s32 v12, $0x0  }
0x65: {  	vm1 =	vmand vm6, vm5;
	vm0 =	vmand vm4, vm0;
	vm4 =	vge.s32 v11, v3  }
0x66: {  	vm1 =	vmand vm1, vm7;
	[tilespmem:$0x110] =	vst v5;
	v5 =	vsel vm0, $0x1, v0;
	vm0 =	vmand vm4, vm3  }
0x67: {  	v6 =	vsel vm1, $0x1, v0;
	[tilespmem:$0x120] =	vst v5;
	vm0 =	vmand vm0, vm2  }
0x68: {  	[tilespmem:$0x100] =	vst v6;
	v5 =	vsel vm0, $0x1, v0  }
0x69: {  	[tilespmem:$0x130] =	vst v5  }
0x6a: {  	[hbm4b:s8+s2] =	stream.linear.scatter [tilespmem:s5], [sflag:$0x1], $0x80, $0x38;
	[tilespmem:$0x180] =	vst v63  }
0x6b: {  	_ =	swait.ge [sflag:s4], $0x80  }
0x6c: {  	[sflag:s4] =	ssyncset.done $0x0  }
0x6d: {  	[sflag:s4] =	ssyncadd.s32 $0xFFFFFF80  }
0x6e: {  	[tilespmem:s2], [sflag:$0x1] =	stream.linear.gather [hbm4b:s7+s2], $0x80, $0x38;
	[tilespmem:$0x180] =	vst v63  }
0x6f: {  	_ =	swait.ge [sflag:s4], $0x80  }
0x70: {  	[sflag:s4] =	ssyncset.done $0x0  }
0x71: {  	[sflag:s4] =	ssyncadd.s32 $0xFFFFFF80  }
0x72: {  	[tilespmem:s9], [sflag:$0x1] =	stream.linear.gather [hbm4b:s6+s2], $0x80, $0x38;
	[tilespmem:$0x180] =	vst v63  }
0x73: {  	_ =	swait.ge [sflag:s4], $0x80  }
0x74: {  	[sflag:s4] =	ssyncset.done $0x0  }
0x75: {  	[sflag:s4] =	ssyncadd.s32 $0xFFFFFF80  }
0x76: {  	[tilespmem:$0x120] =	vst v0;
	v5 =	vld [tilespmem:$0x0]  }
0x77: {  	[tilespmem:$0x100] =	vst v0;
	v6 =	vld [tilespmem:$0x80]  }
0x78: {  	[tilespmem:$0x110] =	vst v0;
	v7 =	vld [tilespmem:$0x20]  }
0x79: {  	[tilespmem:$0x130] =	vst v0;
	v8 =	vld [tilespmem:$0xA0]  }
0x7a: {  	[tilespmem:$0x140] =	vst v0;
	v9 =	vld [tilespmem:$0x90]  }
0x7b: {  	[tilespmem:$0x150] =	vst v0;
	vm0 =	vge.s32 v5, v2;
	vm1 =	vle.s32 v5, v1;
	v5 =	vld [tilespmem:$0x10]  }
0x7c: {  	[tilespmem:$0x160] =	vst v0;
	vm0 =	vmand vm0, vm1;
	vm1 =	vgt.s32 v6, $0x0;
	v6 =	vld [tilespmem:$0x30]  }
0x7d: {  	[tilespmem:$0x170] =	vst v0;
	vm0 =	vmand vm0, vm1;
	vm1 =	vge.s32 v7, v2;
	vm2 =	vle.s32 v7, v1;
	v7 =	vld [tilespmem:$0xB0]  }
0x7e: {  	vm1 =	vmand vm1, vm2;
	vm2 =	vgt.s32 v8, $0x0  }
0x7f: {  	vm1 =	vmand vm1, vm2  }
0x80: {  	vm3 =	vgt.s32 v9, $0x0;
	vm2 =	vge.s32 v5, v2;
	v8 =	vsel vm1, $0x1, v0  }
0x81: {  	v9 =	vsel vm0, $0x1, v0;
	vm0 =	vle.s32 v5, v1;
	[tilespmem:$0x120] =	vst v8;
	vm1 =	vge.s32 v6, v2  }
0x82: {  	vm0 =	vmand vm2, vm0;
	vm2 =	vle.s32 v6, v1;
	[tilespmem:$0x100] =	vst v9  }
0x83: {  	vm0 =	vmand vm0, vm3;
	vm1 =	vmand vm1, vm2;
	vm2 =	vgt.s32 v7, $0x0  }
.Ltmp2:
0x84: {  	v5 =	vsel vm0, $0x1, v0;
	vm0 =	vmand vm1, vm2;
	(pc) =	sbr.rel @p1 .LBB2_2-.Ltmp2, $4  }
0x85: {  	[tilespmem:$0x110] =	vst v5;
	v5 =	vsel vm0, $0x1, v0  }
0x86: {  	[tilespmem:$0x130] =	vst v5  }
0x87: {  	[hbm4b:s3+s2] =	stream.linear.scatter [tilespmem:s5], [sflag:$0x1], $0x80, $0x38;
	[tilespmem:$0x180] =	vst v63  }
0x88: {  	_ =	swait.ge [sflag:s4], $0x80  }
.LBB2_3:
0x89: {  	[sflag:s4] =	ssyncset.done @p0 $0x0  }
0x8a: {  	[sflag:s4] =	ssyncadd.s32 @p0 $0xFFFFFF80  }
0x8b: {  	[tilespmem:s2], [sflag:$0x1] =	stream.linear.gather [hbm4b:s11+s2], $0x80, $0x38;
	[tilespmem:$0x180] =	vst v63  }
0x8c: {  	_ =	swait.ge [sflag:s4], $0x80  }
0x8d: {  	[sflag:s4] =	ssyncset.done $0x0  }
0x8e: {  	[sflag:s4] =	ssyncadd.s32 $0xFFFFFF80  }
0x8f: {  	[tilespmem:s9], [sflag:$0x1] =	stream.linear.gather [hbm4b:s10+s2], $0x80, $0x38;
	[tilespmem:$0x180] =	vst v63  }
0x90: {  	_ =	swait.ge [sflag:s4], $0x80  }
0x91: {  	[sflag:s4] =	ssyncset.done $0x0  }
0x92: {  	[sflag:s4] =	ssyncadd.s32 $0xFFFFFF80  }
0x93: {  	v5 =	vld [tilespmem:$0x90]  }
0x94: {  	v6 =	vld [tilespmem:$0xA0]  }
0x95: {  	v7 =	vld [tilespmem:$0xB0]  }
0x96: {  	v8 =	vld [tilespmem:$0x10]  }
0x97: {  	v9 =	vld [tilespmem:$0x20]  }
0x98: {  	v10 =	vld [tilespmem:$0x0]  }
0x99: {  	v11 =	vld [tilespmem:$0x30]  }
0x9a: {  	[tilespmem:$0x110] =	vst v0;
	v12 =	vld [tilespmem:$0x80]  }
0x9b: {  	[tilespmem:$0x120] =	vst v0  }
0x9c: {  	[tilespmem:$0x100] =	vst v0;
	vm0 =	vgt.s32 v6, $0x0;
	vm1 =	vge.s32 v8, v3;
	vm2 =	vgt.s32 v7, $0x0  }
0x9d: {  	[tilespmem:$0x130] =	vst v0;
	vm3 =	vle.s32 v8, v4;
	vm4 =	vge.s32 v9, v3;
	vm5 =	vle.s32 v9, v4  }
0x9e: {  	[tilespmem:$0x140] =	vst v0;
	vm13 =	vgt.s32 v5, $0x0;
	vm14 =	vle.s32 v10, v4;
	vm15 =	vle.s32 v11, v4  }
0x9f: {  	[tilespmem:$0x150] =	vst v0;
	vm6 =	vge.s32 v10, v3;
	vm7 =	vgt.s32 v12, $0x0;
	vm1 =	vmand vm1, vm3  }
0xa0: {  	[tilespmem:$0x160] =	vst v0;
	vm10 =	vge.s32 v11, v3;
	vm4 =	vmand vm4, vm5;
	vm1 =	vmand vm1, vm13  }
0xa1: {  	[tilespmem:$0x170] =	vst v0;
	vm9 =	vmand vm6, vm14;
	vm0 =	vmand vm4, vm0;
	v48 =	vsel vm1, $0x1, v0  }
0xa2: {  	vm11 =	vmand vm10, vm15;
	vm1 =	vmand vm9, vm7;
	v49 =	vsel vm0, $0x1, v0;
	[tilespmem:$0x110] =	vst v48  }
0xa3: {  	vm0 =	vmand vm11, vm2;
	v50 =	vsel vm1, $0x1, v0;
	[tilespmem:$0x120] =	vst v49  }
0xa4: {  	v51 =	vsel vm0, $0x1, v0;
	[tilespmem:$0x100] =	vst v50  }
0xa5: {  	[tilespmem:$0x130] =	vst v51  }
0xa6: {  	[hbm4b:s8+s2] =	stream.linear.scatter [tilespmem:s5], [sflag:$0x1], $0x80, $0x38;
	[tilespmem:$0x180] =	vst v63  }
0xa7: {  	_ =	swait.ge [sflag:s4], $0x80  }
0xa8: {  	[sflag:s4] =	ssyncset.done $0x0  }
0xa9: {  	[sflag:s4] =	ssyncadd.s32 $0xFFFFFF80  }
0xaa: {  	[tilespmem:s2], [sflag:$0x1] =	stream.linear.gather [hbm4b:s7+s2], $0x80, $0x38;
	[tilespmem:$0x180] =	vst v63  }
0xab: {  	_ =	swait.ge [sflag:s4], $0x80  }
0xac: {  	[sflag:s4] =	ssyncset.done $0x0  }
0xad: {  	[sflag:s4] =	ssyncadd.s32 $0xFFFFFF80  }
0xae: {  	[tilespmem:s9], [sflag:$0x1] =	stream.linear.gather [hbm4b:s6+s2], $0x80, $0x38;
	[tilespmem:$0x180] =	vst v63  }
0xaf: {  	_ =	swait.ge [sflag:s4], $0x80  }
0xb0: {  	[sflag:s4] =	ssyncset.done $0x0  }
0xb1: {  	[sflag:s4] =	ssyncadd.s32 $0xFFFFFF80  }
0xb2: {  	v52 =	vld [tilespmem:$0x0]  }
0xb3: {  	v53 =	vld [tilespmem:$0x80]  }
0xb4: {  	v54 =	vld [tilespmem:$0x20]  }
0xb5: {  	v55 =	vld [tilespmem:$0xA0]  }
0xb6: {  	v56 =	vld [tilespmem:$0x90]  }
0xb7: {  	v57 =	vld [tilespmem:$0x10]  }
0xb8: {  	[tilespmem:$0x120] =	vst v0;
	v58 =	vld [tilespmem:$0x30]  }
0xb9: {  	[tilespmem:$0x100] =	vst v0  }
0xba: {  	[tilespmem:$0x110] =	vst v0;
	vm12 =	vge.s32 v52, v2;
	vm13 =	vle.s32 v52, v1;
	vm14 =	vgt.s32 v53, $0x0  }
0xbb: {  	[tilespmem:$0x130] =	vst v0;
	v59 =	vld [tilespmem:$0xB0];
	vm15 =	vge.s32 v54, v2;
	vm6 =	vle.s32 v54, v1;
	vm8 =	vgt.s32 v55, $0x0  }
0xbc: {  	[tilespmem:$0x140] =	vst v0;
	vm9 =	vge.s32 v57, v2;
	vm10 =	vgt.s32 v56, $0x0;
	vm11 =	vle.s32 v57, v1  }
0xbd: {  	[tilespmem:$0x150] =	vst v0;
	vm0 =	vmand vm12, vm13;
	vm7 =	vmand vm15, vm6;
	vm12 =	vge.s32 v58, v2  }
0xbe: {  	[tilespmem:$0x160] =	vst v0;
	vm13 =	vle.s32 v58, v1;
	vm0 =	vmand vm0, vm14;
	vm1 =	vmand vm7, vm8  }
0xbf: {  	[tilespmem:$0x170] =	vst v0;
	v60 =	vsel vm1, $0x1, v0;
	v61 =	vsel vm0, $0x1, v0;
	vm0 =	vmand vm9, vm11  }
0xc0: {  	vm14 =	vgt.s32 v59, $0x0;
	vm1 =	vmand vm12, vm13;
	[tilespmem:$0x120] =	vst v60;
	vm0 =	vmand vm0, vm10  }
0xc1: {  	[tilespmem:$0x100] =	vst v61;
	vm15 =	vmand vm1, vm14;
	v62 =	vsel vm0, $0x1, v0  }
0xc2: {  	v63 =	vsel vm15, $0x1, v0;
	[tilespmem:$0x110] =	vst v62  }
0xc3: {  	[tilespmem:$0x130] =	vst v63  }
0xc4: {  	[hbm4b:s3+s2] =	stream.linear.scatter [tilespmem:s5], [sflag:$0x1], $0x80, $0x38;
	[tilespmem:$0x180] =	vst v63  }
0xc5: {  	_ =	swait.ge [sflag:s4], $0x80  }
0xc6: {  	[sflag:s4] =	ssyncset.done $0x0  }
0xc7: {  	[sflag:s4] =	ssyncadd.s32 $0xFFFFFF80  }
0xc8: {  	_ =	sfence.sel $0x180000  }
0xc9: {  	[bflag:$0x0] =	sbarrier.arrive $0xFFFF  }
0xca: {  	p0 =	sne.s32 s1, $0x0;
	_ =	strace $0x90000047  }
0xcb: {  	s0 =	sadd.s32 @!p0 $0x100000, s0;
	[bflag:$0x2] =	sbarrier.arrive $0xFFFF  }
0xcc: {  	[sflag:s0] =	ssyncadd.tile.s32 @!p0 $0x1;
	_ =	shalt  }
.Lfunc_end2:
_tile_overlayer_lowered:
.L_overlay_start_2:
0xcd: {  	(tag) =	ssettag $0x2  }
0xce: {  	s0 =	rddreg [dreg:$0x0];
	s2 =	stileid.u32  }
0xcf: {  	s1 =	rddreg [dreg:$0x1];
	p0 =	sne.s32 s2, $0x0  }
0xd0: {  	s3 =	rddreg [dreg:$0x2];
	[bflag:$0x3] =	sbarrier.arrive $0xFFFF;
	s2 =	simm.s32 @!p0 $0x1C01  }
0xd1: {  	[timem:s3], [sflag:s2] =	dma.local @!p0 [hbm:s0], s1  }
0xd2: {  	s0 =	simm.s32 @!p0 $0x1  }
0xd3: {  	_ =	swait.ge @!p0 [sflag:s0], s1  }
0xd4: {  	s1 =	ssub.s32 @!p0 $0x0, s1;
	[sflag:s0] =	ssyncset.done @!p0 $0x0  }
0xd5: {  	[sflag:s0] =	ssyncadd.s32 @!p0 s1  }
0xd6: {  	[bflag:$0x3] =	sbarrier.arrive $0xFFFF  }
0xd7: {  	_ =	shalt  }

</sc_bundles>
